<compile_context>
chip_gen: v7x
topology: tpu7x:2x2x1
jax: 0.10.2.dev20260603
libtpu: 0.0.44.dev20260713+nightly
codegen_flags: <defaults>
</compile_context>

<pallas_src>
import functools
import math

import jax
import jax.numpy as jnp
from jax import lax
from jax.experimental import pallas as pl
from jax.experimental.pallas import tpu as pltpu
from jax.experimental.pallas import tpu_sc as plsc

MODEL_DIM = 128
SCALE = math.sqrt(MODEL_DIM)

_INFO = plsc.get_sparse_core_info()
NUM_CORES = _INFO.num_cores
NUM_SUBCORES = _INFO.num_subcores
NUM_WORKERS = NUM_CORES * NUM_SUBCORES

R = 128
NBUF = 4


def _gather_kernel(n_total, d):
    per_worker = n_total // NUM_WORKERS
    n_rounds = per_worker // R
    n_iters = n_rounds // NBUF
    assert per_worker % R == 0 and n_rounds % NBUF == 0

    mesh = plsc.VectorSubcoreMesh(core_axis_name="c", subcore_axis_name="s")

    @functools.partial(
        pl.kernel,
        mesh=mesh,
        out_type=jax.ShapeDtypeStruct((n_total, d), jnp.float32),
        scratch_types=[
            pltpu.VMEM((per_worker,), jnp.int32),
            pltpu.VMEM((NBUF, R, d), jnp.float32),
            pltpu.SemaphoreType.DMA,
            pltpu.SemaphoreType.DMA,
            pltpu.SemaphoreType.DMA,
            pltpu.SemaphoreType.DMA,
            pltpu.SemaphoreType.DMA,
            pltpu.SemaphoreType.DMA,
            pltpu.SemaphoreType.DMA,
            pltpu.SemaphoreType.DMA,
        ],
    )
    def gather(table_hbm, idx_hbm, out_hbm, idx_v, rows_v, *sems):
        gs = sems[:NBUF]
        ws = sems[NBUF:]
        wid = lax.axis_index("s") * NUM_CORES + lax.axis_index("c")
        base = wid * per_worker

        pltpu.sync_copy(idx_hbm.at[pl.ds(base, per_worker)], idx_v)

        def fire_gather(r, b):
            pltpu.async_copy(
                table_hbm.at[idx_v.at[pl.ds(r * R, R)]], rows_v.at[b], gs[b]
            )

        def wait_gather(b):
            pltpu.make_async_copy(
                table_hbm.at[pl.ds(0, R)], rows_v.at[b], gs[b]
            ).wait()

        def fire_wb(r, b):
            pltpu.async_copy(
                rows_v.at[b], out_hbm.at[pl.ds(base + r * R, R)], ws[b]
            )

        def wait_wb(b):
            pltpu.make_async_copy(
                rows_v.at[b], out_hbm.at[pl.ds(base, R)], ws[b]
            ).wait()

        def scale_buf(b):
            def sbody(rr, c):
                for j in range(d // 16):
                    v = rows_v[b, rr, pl.ds(j * 16, 16)]
                    rows_v[b, rr, pl.ds(j * 16, 16)] = v * SCALE
                return c

            lax.fori_loop(0, R, sbody, 0)

        fire_gather(0, 0)
        fire_gather(1, 1)

        def body(i, carry):
            r0 = NBUF * i

            @pl.when(i > 0)
            def _():
                wait_wb(2)

            fire_gather(r0 + 2, 2)
            wait_gather(0)
            scale_buf(0)
            fire_wb(r0, 0)

            @pl.when(i > 0)
            def _():
                wait_wb(3)

            fire_gather(r0 + 3, 3)
            wait_gather(1)
            scale_buf(1)
            fire_wb(r0 + 1, 1)

            wait_wb(0)

            @pl.when(i + 1 < n_iters)
            def _():
                fire_gather(r0 + 4, 0)

            wait_gather(2)
            scale_buf(2)
            fire_wb(r0 + 2, 2)

            wait_wb(1)

            @pl.when(i + 1 < n_iters)
            def _():
                fire_gather(r0 + 5, 1)

            wait_gather(3)
            scale_buf(3)
            fire_wb(r0 + 3, 3)
            return carry

        lax.fori_loop(0, n_iters, body, 0)
        wait_wb(2)
        wait_wb(3)

    return gather


def kernel(token_ids_batch, embeddings_table):
    batch, seq = token_ids_batch.shape
    _, d = embeddings_table.shape
    n_total = batch * seq

    flat_ids = token_ids_batch.reshape(n_total).astype(jnp.int32)
    out = _gather_kernel(n_total, d)(embeddings_table, flat_ids)
    return out.reshape(batch, seq, d)

# --- scband reference (transcript-rebuilt; emitter-appended) ---
"""Pipeline reference for scband-embedding-14096082666378 (READ-ONLY COPY).

The authoritative reference and input builder live on the scoring server;
editing this copy changes nothing except your own understanding.
"""

import jax, jax.numpy as jnp
import numpy as np
import math

VOCAB_SIZE = 100000
MODEL_DIM = 128
BATCH = 4096
SEQ_LEN = 200


def setup_inputs(seed: int = 0) -> dict:
    key = jax.random.key(seed)
    k1, k2 = jax.random.split(key)
    token_ids_batch = jax.random.randint(k1, (BATCH, SEQ_LEN), 0, VOCAB_SIZE, dtype=jnp.int64 if jax.config.jax_enable_x64 else jnp.int32)
    embeddings_table = jax.random.normal(k2, (VOCAB_SIZE, MODEL_DIM), dtype=jnp.float32)
    return {"token_ids_batch": token_ids_batch, "embeddings_table": embeddings_table}


def reference(token_ids_batch, embeddings_table):
    # faithful translation of Embedding.forward:
    #   embeddings = self.embeddings_table(token_ids_batch)
    #   return embeddings * math.sqrt(self.model_dimension)
    assert token_ids_batch.ndim == 2
    embeddings = jnp.take(embeddings_table, token_ids_batch, axis=0)
    return embeddings * math.sqrt(MODEL_DIM)

if __name__ == "__main__":
    import jax
    _d = setup_inputs()
    print(jax.jit(kernel)(*tuple(_d.values())))

</pallas_src>

<mosaic_0001>
#map = affine_map<(d0, d1) -> (0, 0)>
#map1 = affine_map<(d0, d1) -> (0)>
module attributes {stable_mosaic.version = 14 : i64} {
  func.func @gather(%arg0: i32, %arg1: i32, %arg2: memref<100000x128xf32, #tpu.memory_space<hbm>>, %arg3: memref<819200xi32, #tpu.memory_space<hbm>>, %arg4: memref<819200x128xf32, #tpu.memory_space<hbm>>, %arg5: memref<25600xi32, #tpu.memory_space<vmem>>, %arg6: memref<4x128x128xf32, #tpu.memory_space<vmem>>, %arg7: memref<!tpu.dma_semaphore, #tpu.memory_space<semaphore_mem>>, %arg8: memref<!tpu.dma_semaphore, #tpu.memory_space<semaphore_mem>>, %arg9: memref<!tpu.dma_semaphore, #tpu.memory_space<semaphore_mem>>, %arg10: memref<!tpu.dma_semaphore, #tpu.memory_space<semaphore_mem>>, %arg11: memref<!tpu.dma_semaphore, #tpu.memory_space<semaphore_mem>>, %arg12: memref<!tpu.dma_semaphore, #tpu.memory_space<semaphore_mem>>, %arg13: memref<!tpu.dma_semaphore, #tpu.memory_space<semaphore_mem>>, %arg14: memref<!tpu.dma_semaphore, #tpu.memory_space<semaphore_mem>>) attributes {dimension_semantics = [#tpu.dimension_semantics<core_parallel>, #tpu.dimension_semantics<subcore_parallel>], iteration_bounds = array<i64: 2, 16>, scalar_prefetch = 0 : i64, scratch_operands = 10 : i64, tpu.core_type = #tpu.core_type<sc_vector_subcore>, window_params = [{transform_indices = #map}, {transform_indices = #map1}, {transform_indices = #map}]} {
    %mul3A = arith.constant 2 : i32
    %mul3A_0 = arith.muli %arg1, %mul3A : i32
    %add3A = arith.addi %mul3A_0, %arg0 : i32
    %mul3A_1 = arith.constant 25600 : i32
    %mul3A_2 = arith.muli %add3A, %mul3A_1 : i32
    "tpu.region"() ({
      %run_scoped3A = tpu.sem_alloc : memref<!tpu.dma_semaphore, #tpu.memory_space<semaphore_mem>>
      %dma_start3A_52 = tpu.memref_slice %arg3[%mul3A_2] : memref<819200xi32, #tpu.memory_space<hbm>> -> memref<25600xi32, #tpu.memory_space<hbm>>
      %dma_start3A_53 = tpu.memref_slice %arg3[%mul3A_2] : memref<819200xi32, #tpu.memory_space<hbm>> -> memref<25600xi32, #tpu.memory_space<hbm>>
      tpu.enqueue_dma source(%dma_start3A_53 : memref<25600xi32, #tpu.memory_space<hbm>>) target(%arg5 : memref<25600xi32, #tpu.memory_space<vmem>>) target_semaphore(%run_scoped3A : memref<!tpu.dma_semaphore, #tpu.memory_space<semaphore_mem>>)
      %dma_wait3A_54 = tpu.memref_slice %arg3[%mul3A_2] : memref<819200xi32, #tpu.memory_space<hbm>> -> memref<25600xi32, #tpu.memory_space<hbm>>
      %dma_wait3A_55 = tpu.memref_slice %arg3[%mul3A_2] : memref<819200xi32, #tpu.memory_space<hbm>> -> memref<25600xi32, #tpu.memory_space<hbm>>
      tpu.wait_dma2 semaphore(%run_scoped3A : memref<!tpu.dma_semaphore, #tpu.memory_space<semaphore_mem>>) src(%dma_wait3A_55 : memref<25600xi32, #tpu.memory_space<hbm>>) dst(%arg5 : memref<25600xi32, #tpu.memory_space<vmem>>)
      tpu.yield
    }) : () -> ()
    %dma_start3A = arith.constant 0 : i32
    %dma_start3A_3 = arith.constant 0 : i32
    %dma_start3A_4 = arith.constant 0 : i32
    %dma_start3A_5 = tpu.memref_slice %arg6[%dma_start3A, %dma_start3A_3, %dma_start3A_4] : memref<4x128x128xf32, #tpu.memory_space<vmem>> -> memref<1x128x128xf32, #tpu.memory_space<vmem>>
    %dma_start3A_6 = tpu.memref_squeeze %dma_start3A_5 : memref<1x128x128xf32, #tpu.memory_space<vmem>> -> memref<128x128xf32, #tpu.memory_space<vmem>>
    %dma_start3A_7 = arith.constant 0 : i32
    %dma_start3A_8 = tpu.memref_slice %arg5[%dma_start3A_7] : memref<25600xi32, #tpu.memory_space<vmem>> -> memref<128xi32, #tpu.memory_space<vmem>>
    %dma_start3A_9 = arith.constant 0 : i32
    %dma_start3A_10 = arith.constant 0 : i32
    %dma_start3A_11 = tpu.memref_slice %arg2[%dma_start3A_9, %dma_start3A_10] : memref<100000x128xf32, #tpu.memory_space<hbm>> -> memref<100000x128xf32, #tpu.memory_space<hbm>>
    tpu.enqueue_indirect_dma source(%dma_start3A_11 : memref<100000x128xf32, #tpu.memory_space<hbm>>) target(%dma_start3A_6 : memref<128x128xf32, #tpu.memory_space<vmem>>) offsets(%dma_start3A_8 : memref<128xi32, #tpu.memory_space<vmem>>) semaphore(%arg7 : memref<!tpu.dma_semaphore, #tpu.memory_space<semaphore_mem>>)
    %dma_start3A_12 = arith.constant 1 : i32
    %dma_start3A_13 = arith.constant 0 : i32
    %dma_start3A_14 = arith.constant 0 : i32
    %dma_start3A_15 = tpu.memref_slice %arg6[%dma_start3A_12, %dma_start3A_13, %dma_start3A_14] : memref<4x128x128xf32, #tpu.memory_space<vmem>> -> memref<1x128x128xf32, #tpu.memory_space<vmem>>
    %dma_start3A_16 = tpu.memref_squeeze %dma_start3A_15 : memref<1x128x128xf32, #tpu.memory_space<vmem>> -> memref<128x128xf32, #tpu.memory_space<vmem>>
    %dma_start3A_17 = arith.constant 128 : i32
    %dma_start3A_18 = tpu.memref_slice %arg5[%dma_start3A_17] : memref<25600xi32, #tpu.memory_space<vmem>> -> memref<128xi32, #tpu.memory_space<vmem>>
    %dma_start3A_19 = arith.constant 0 : i32
    %dma_start3A_20 = arith.constant 0 : i32
    %dma_start3A_21 = tpu.memref_slice %arg2[%dma_start3A_19, %dma_start3A_20] : memref<100000x128xf32, #tpu.memory_space<hbm>> -> memref<100000x128xf32, #tpu.memory_space<hbm>>
    tpu.enqueue_indirect_dma source(%dma_start3A_21 : memref<100000x128xf32, #tpu.memory_space<hbm>>) target(%dma_start3A_16 : memref<128x128xf32, #tpu.memory_space<vmem>>) offsets(%dma_start3A_18 : memref<128xi32, #tpu.memory_space<vmem>>) semaphore(%arg8 : memref<!tpu.dma_semaphore, #tpu.memory_space<semaphore_mem>>)
    %scan3A = arith.constant 0 : i32
    %scan3A_22 = arith.constant 0 : i32
    %scan3A_23 = arith.constant 50 : i32
    %scan3A_24 = arith.addi %scan3A_22, %scan3A_23 : i32
    %scan3A_25 = arith.constant 1 : i32
    scf.for %scan3A_52 = %scan3A_22 to %scan3A_24 step %scan3A_25  : i32 {
      %mul3A_53 = arith.constant 4 : i32
      %mul3A_54 = arith.muli %mul3A_53, %scan3A_52 : i32
      %gt3A = arith.constant 0 : i32
      %gt3A_55 = arith.cmpi sgt, %scan3A_52, %gt3A : i32
      %convert_element_type3A = arith.extui %gt3A_55 : i1 to i32
      %cond3A = arith.constant 0 : i32
      %cond3A_56 = arith.cmpi ne, %convert_element_type3A, %cond3A : i32
      scf.if %cond3A_56 {
        %dma_wait3A_281 = arith.constant 2 : i32
        %dma_wait3A_282 = arith.constant 0 : i32
        %dma_wait3A_283 = arith.constant 0 : i32
        %dma_wait3A_284 = tpu.memref_slice %arg6[%dma_wait3A_281, %dma_wait3A_282, %dma_wait3A_283] : memref<4x128x128xf32, #tpu.memory_space<vmem>> -> memref<1x128x128xf32, #tpu.memory_space<vmem>>
        %dma_wait3A_285 = tpu.memref_squeeze %dma_wait3A_284 : memref<1x128x128xf32, #tpu.memory_space<vmem>> -> memref<128x128xf32, #tpu.memory_space<vmem>>
        %dma_wait3A_286 = arith.constant 0 : i32
        %dma_wait3A_287 = tpu.memref_slice %arg4[%mul3A_2, %dma_wait3A_286] : memref<819200x128xf32, #tpu.memory_space<hbm>> -> memref<128x128xf32, #tpu.memory_space<hbm>>
        %dma_wait3A_288 = arith.constant 0 : i32
        %dma_wait3A_289 = tpu.memref_slice %arg4[%mul3A_2, %dma_wait3A_288] : memref<819200x128xf32, #tpu.memory_space<hbm>> -> memref<128x128xf32, #tpu.memory_space<hbm>>
        %dma_wait3A_290 = arith.constant 0 : i32
        %dma_wait3A_291 = arith.constant 0 : i32
        %dma_wait3A_292 = tpu.memref_slice %arg6[%dma_wait3A_281, %dma_wait3A_290, %dma_wait3A_291] : memref<4x128x128xf32, #tpu.memory_space<vmem>> -> memref<1x128x128xf32, #tpu.memory_space<vmem>>
        %dma_wait3A_293 = tpu.memref_squeeze %dma_wait3A_292 : memref<1x128x128xf32, #tpu.memory_space<vmem>> -> memref<128x128xf32, #tpu.memory_space<vmem>>
        tpu.wait_dma2 semaphore(%arg13 : memref<!tpu.dma_semaphore, #tpu.memory_space<semaphore_mem>>) src(%dma_wait3A_293 : memref<128x128xf32, #tpu.memory_space<vmem>>) dst(%dma_wait3A_289 : memref<128x128xf32, #tpu.memory_space<hbm>>)
      } else {
      }
      %add3A_57 = arith.constant 2 : i32
      %add3A_58 = arith.addi %mul3A_54, %add3A_57 : i32
      %mul3A_59 = arith.constant 128 : i32
      %mul3A_60 = arith.muli %add3A_58, %mul3A_59 : i32
      %dma_start3A_61 = arith.constant 2 : i32
      %dma_start3A_62 = arith.constant 0 : i32
      %dma_start3A_63 = arith.constant 0 : i32
      %dma_start3A_64 = tpu.memref_slice %arg6[%dma_start3A_61, %dma_start3A_62, %dma_start3A_63] : memref<4x128x128xf32, #tpu.memory_space<vmem>> -> memref<1x128x128xf32, #tpu.memory_space<vmem>>
      %dma_start3A_65 = tpu.memref_squeeze %dma_start3A_64 : memref<1x128x128xf32, #tpu.memory_space<vmem>> -> memref<128x128xf32, #tpu.memory_space<vmem>>
      %dma_start3A_66 = tpu.memref_slice %arg5[%mul3A_60] : memref<25600xi32, #tpu.memory_space<vmem>> -> memref<128xi32, #tpu.memory_space<vmem>>
      %dma_start3A_67 = arith.constant 0 : i32
      %dma_start3A_68 = arith.constant 0 : i32
      %dma_start3A_69 = tpu.memref_slice %arg2[%dma_start3A_67, %dma_start3A_68] : memref<100000x128xf32, #tpu.memory_space<hbm>> -> memref<100000x128xf32, #tpu.memory_space<hbm>>
      tpu.enqueue_indirect_dma source(%dma_start3A_69 : memref<100000x128xf32, #tpu.memory_space<hbm>>) target(%dma_start3A_65 : memref<128x128xf32, #tpu.memory_space<vmem>>) offsets(%dma_start3A_66 : memref<128xi32, #tpu.memory_space<vmem>>) semaphore(%arg9 : memref<!tpu.dma_semaphore, #tpu.memory_space<semaphore_mem>>)
      %dma_wait3A_70 = arith.constant 0 : i32
      %dma_wait3A_71 = arith.constant 0 : i32
      %dma_wait3A_72 = arith.constant 0 : i32
      %dma_wait3A_73 = tpu.memref_slice %arg6[%dma_wait3A_70, %dma_wait3A_71, %dma_wait3A_72] : memref<4x128x128xf32, #tpu.memory_space<vmem>> -> memref<1x128x128xf32, #tpu.memory_space<vmem>>
      %dma_wait3A_74 = tpu.memref_squeeze %dma_wait3A_73 : memref<1x128x128xf32, #tpu.memory_space<vmem>> -> memref<128x128xf32, #tpu.memory_space<vmem>>
      %dma_wait3A_75 = arith.constant 0 : i32
      %dma_wait3A_76 = arith.constant 0 : i32
      %dma_wait3A_77 = tpu.memref_slice %arg2[%dma_wait3A_75, %dma_wait3A_76] : memref<100000x128xf32, #tpu.memory_space<hbm>> -> memref<128x128xf32, #tpu.memory_space<hbm>>
      %dma_wait3A_78 = arith.constant 0 : i32
      %dma_wait3A_79 = arith.constant 0 : i32
      %dma_wait3A_80 = tpu.memref_slice %arg6[%dma_wait3A_70, %dma_wait3A_78, %dma_wait3A_79] : memref<4x128x128xf32, #tpu.memory_space<vmem>> -> memref<1x128x128xf32, #tpu.memory_space<vmem>>
      %dma_wait3A_81 = tpu.memref_squeeze %dma_wait3A_80 : memref<1x128x128xf32, #tpu.memory_space<vmem>> -> memref<128x128xf32, #tpu.memory_space<vmem>>
      %dma_wait3A_82 = arith.constant 0 : i32
      %dma_wait3A_83 = arith.constant 0 : i32
      %dma_wait3A_84 = tpu.memref_slice %arg2[%dma_wait3A_82, %dma_wait3A_83] : memref<100000x128xf32, #tpu.memory_space<hbm>> -> memref<128x128xf32, #tpu.memory_space<hbm>>
      tpu.wait_dma2 semaphore(%arg7 : memref<!tpu.dma_semaphore, #tpu.memory_space<semaphore_mem>>) src(%dma_wait3A_84 : memref<128x128xf32, #tpu.memory_space<hbm>>) dst(%dma_wait3A_81 : memref<128x128xf32, #tpu.memory_space<vmem>>)
      %scan3A_85 = arith.constant 0 : i32
      %scan3A_86 = arith.constant 0 : i32
      %scan3A_87 = arith.constant 128 : i32
      %scan3A_88 = arith.addi %scan3A_86, %scan3A_87 : i32
      %scan3A_89 = arith.constant 1 : i32
      scf.for %scan3A_281 = %scan3A_86 to %scan3A_88 step %scan3A_89  : i32 {
        %get3A = arith.constant 0 : i32
        %get3A_282 = arith.index_cast %get3A : i32 to index
        %get3A_283 = arith.index_cast %scan3A_281 : i32 to index
        %get3A_284 = arith.constant 0 : index
        %get3A_285 = tpu.vector_load %arg6[%get3A_282, %get3A_283, %get3A_284] {strides = array<i32>} : memref<4x128x128xf32, #tpu.memory_space<vmem>>, vector<1x1x16xf32>,
        %get3A_286 = vector.shape_cast %get3A_285 : vector<1x1x16xf32> to vector<16xf32>
        %mul3A_287 = arith.constant 11.3137083 : f32
        %mul3A_288 = vector.broadcast %mul3A_287 : f32 to vector<16xf32>
        %mul3A_289 = arith.mulf %get3A_286, %mul3A_288 : vector<16xf32>
        %swap3A = arith.constant 0 : i32
        %swap3A_290 = arith.index_cast %swap3A : i32 to index
        %swap3A_291 = arith.index_cast %scan3A_281 : i32 to index
        %swap3A_292 = arith.constant 0 : index
        %swap3A_293 = tpu.vector_load %arg6[%swap3A_290, %swap3A_291, %swap3A_292] {strides = array<i32>} : memref<4x128x128xf32, #tpu.memory_space<vmem>>, vector<1x1x16xf32>,
        %swap3A_294 = vector.shape_cast %swap3A_293 : vector<1x1x16xf32> to vector<16xf32>
        %swap3A_295 = vector.shape_cast %mul3A_289 : vector<16xf32> to vector<1x1x16xf32>
        tpu.vector_store %arg6[%swap3A_290, %swap3A_291, %swap3A_292], %swap3A_295 {strides = array<i32>} : memref<4x128x128xf32, #tpu.memory_space<vmem>>, vector<1x1x16xf32>,
        %get3A_296 = arith.constant 0 : i32
        %get3A_297 = arith.index_cast %get3A_296 : i32 to index
        %get3A_298 = arith.index_cast %scan3A_281 : i32 to index
        %get3A_299 = arith.constant 16 : index
        %get3A_300 = tpu.vector_load %arg6[%get3A_297, %get3A_298, %get3A_299] {strides = array<i32>} : memref<4x128x128xf32, #tpu.memory_space<vmem>>, vector<1x1x16xf32>,
        %get3A_301 = vector.shape_cast %get3A_300 : vector<1x1x16xf32> to vector<16xf32>
        %mul3A_302 = arith.constant 11.3137083 : f32
        %mul3A_303 = vector.broadcast %mul3A_302 : f32 to vector<16xf32>
        %mul3A_304 = arith.mulf %get3A_301, %mul3A_303 : vector<16xf32>
        %swap3A_305 = arith.constant 0 : i32
        %swap3A_306 = arith.index_cast %swap3A_305 : i32 to index
        %swap3A_307 = arith.index_cast %scan3A_281 : i32 to index
        %swap3A_308 = arith.constant 16 : index
        %swap3A_309 = tpu.vector_load %arg6[%swap3A_306, %swap3A_307, %swap3A_308] {strides = array<i32>} : memref<4x128x128xf32, #tpu.memory_space<vmem>>, vector<1x1x16xf32>,
        %swap3A_310 = vector.shape_cast %swap3A_309 : vector<1x1x16xf32> to vector<16xf32>
        %swap3A_311 = vector.shape_cast %mul3A_304 : vector<16xf32> to vector<1x1x16xf32>
        tpu.vector_store %arg6[%swap3A_306, %swap3A_307, %swap3A_308], %swap3A_311 {strides = array<i32>} : memref<4x128x128xf32, #tpu.memory_space<vmem>>, vector<1x1x16xf32>,
        %get3A_312 = arith.constant 0 : i32
        %get3A_313 = arith.index_cast %get3A_312 : i32 to index
        %get3A_314 = arith.index_cast %scan3A_281 : i32 to index
        %get3A_315 = arith.constant 32 : index
        %get3A_316 = tpu.vector_load %arg6[%get3A_313, %get3A_314, %get3A_315] {strides = array<i32>} : memref<4x128x128xf32, #tpu.memory_space<vmem>>, vector<1x1x16xf32>,
        %get3A_317 = vector.shape_cast %get3A_316 : vector<1x1x16xf32> to vector<16xf32>
        %mul3A_318 = arith.constant 11.3137083 : f32
        %mul3A_319 = vector.broadcast %mul3A_318 : f32 to vector<16xf32>
        %mul3A_320 = arith.mulf %get3A_317, %mul3A_319 : vector<16xf32>
        %swap3A_321 = arith.constant 0 : i32
        %swap3A_322 = arith.index_cast %swap3A_321 : i32 to index
        %swap3A_323 = arith.index_cast %scan3A_281 : i32 to index
        %swap3A_324 = arith.constant 32 : index
        %swap3A_325 = tpu.vector_load %arg6[%swap3A_322, %swap3A_323, %swap3A_324] {strides = array<i32>} : memref<4x128x128xf32, #tpu.memory_space<vmem>>, vector<1x1x16xf32>,
        %swap3A_326 = vector.shape_cast %swap3A_325 : vector<1x1x16xf32> to vector<16xf32>
        %swap3A_327 = vector.shape_cast %mul3A_320 : vector<16xf32> to vector<1x1x16xf32>
        tpu.vector_store %arg6[%swap3A_322, %swap3A_323, %swap3A_324], %swap3A_327 {strides = array<i32>} : memref<4x128x128xf32, #tpu.memory_space<vmem>>, vector<1x1x16xf32>,
        %get3A_328 = arith.constant 0 : i32
        %get3A_329 = arith.index_cast %get3A_328 : i32 to index
        %get3A_330 = arith.index_cast %scan3A_281 : i32 to index
        %get3A_331 = arith.constant 48 : index
        %get3A_332 = tpu.vector_load %arg6[%get3A_329, %get3A_330, %get3A_331] {strides = array<i32>} : memref<4x128x128xf32, #tpu.memory_space<vmem>>, vector<1x1x16xf32>,
        %get3A_333 = vector.shape_cast %get3A_332 : vector<1x1x16xf32> to vector<16xf32>
        %mul3A_334 = arith.constant 11.3137083 : f32
        %mul3A_335 = vector.broadcast %mul3A_334 : f32 to vector<16xf32>
        %mul3A_336 = arith.mulf %get3A_333, %mul3A_335 : vector<16xf32>
        %swap3A_337 = arith.constant 0 : i32
        %swap3A_338 = arith.index_cast %swap3A_337 : i32 to index
        %swap3A_339 = arith.index_cast %scan3A_281 : i32 to index
        %swap3A_340 = arith.constant 48 : index
        %swap3A_341 = tpu.vector_load %arg6[%swap3A_338, %swap3A_339, %swap3A_340] {strides = array<i32>} : memref<4x128x128xf32, #tpu.memory_space<vmem>>, vector<1x1x16xf32>,
        %swap3A_342 = vector.shape_cast %swap3A_341 : vector<1x1x16xf32> to vector<16xf32>
        %swap3A_343 = vector.shape_cast %mul3A_336 : vector<16xf32> to vector<1x1x16xf32>
        tpu.vector_store %arg6[%swap3A_338, %swap3A_339, %swap3A_340], %swap3A_343 {strides = array<i32>} : memref<4x128x128xf32, #tpu.memory_space<vmem>>, vector<1x1x16xf32>,
        %get3A_344 = arith.constant 0 : i32
        %get3A_345 = arith.index_cast %get3A_344 : i32 to index
        %get3A_346 = arith.index_cast %scan3A_281 : i32 to index
        %get3A_347 = arith.constant 64 : index
        %get3A_348 = tpu.vector_load %arg6[%get3A_345, %get3A_346, %get3A_347] {strides = array<i32>} : memref<4x128x128xf32, #tpu.memory_space<vmem>>, vector<1x1x16xf32>,
        %get3A_349 = vector.shape_cast %get3A_348 : vector<1x1x16xf32> to vector<16xf32>
        %mul3A_350 = arith.constant 11.3137083 : f32
        %mul3A_351 = vector.broadcast %mul3A_350 : f32 to vector<16xf32>
        %mul3A_352 = arith.mulf %get3A_349, %mul3A_351 : vector<16xf32>
        %swap3A_353 = arith.constant 0 : i32
        %swap3A_354 = arith.index_cast %swap3A_353 : i32 to index
        %swap3A_355 = arith.index_cast %scan3A_281 : i32 to index
        %swap3A_356 = arith.constant 64 : index
        %swap3A_357 = tpu.vector_load %arg6[%swap3A_354, %swap3A_355, %swap3A_356] {strides = array<i32>} : memref<4x128x128xf32, #tpu.memory_space<vmem>>, vector<1x1x16xf32>,
        %swap3A_358 = vector.shape_cast %swap3A_357 : vector<1x1x16xf32> to vector<16xf32>
        %swap3A_359 = vector.shape_cast %mul3A_352 : vector<16xf32> to vector<1x1x16xf32>
        tpu.vector_store %arg6[%swap3A_354, %swap3A_355, %swap3A_356], %swap3A_359 {strides = array<i32>} : memref<4x128x128xf32, #tpu.memory_space<vmem>>, vector<1x1x16xf32>,
        %get3A_360 = arith.constant 0 : i32
        %get3A_361 = arith.index_cast %get3A_360 : i32 to index
        %get3A_362 = arith.index_cast %scan3A_281 : i32 to index
        %get3A_363 = arith.constant 80 : index
        %get3A_364 = tpu.vector_load %arg6[%get3A_361, %get3A_362, %get3A_363] {strides = array<i32>} : memref<4x128x128xf32, #tpu.memory_space<vmem>>, vector<1x1x16xf32>,
        %get3A_365 = vector.shape_cast %get3A_364 : vector<1x1x16xf32> to vector<16xf32>
        %mul3A_366 = arith.constant 11.3137083 : f32
        %mul3A_367 = vector.broadcast %mul3A_366 : f32 to vector<16xf32>
        %mul3A_368 = arith.mulf %get3A_365, %mul3A_367 : vector<16xf32>
        %swap3A_369 = arith.constant 0 : i32
        %swap3A_370 = arith.index_cast %swap3A_369 : i32 to index
        %swap3A_371 = arith.index_cast %scan3A_281 : i32 to index
        %swap3A_372 = arith.constant 80 : index
        %swap3A_373 = tpu.vector_load %arg6[%swap3A_370, %swap3A_371, %swap3A_372] {strides = array<i32>} : memref<4x128x128xf32, #tpu.memory_space<vmem>>, vector<1x1x16xf32>,
        %swap3A_374 = vector.shape_cast %swap3A_373 : vector<1x1x16xf32> to vector<16xf32>
        %swap3A_375 = vector.shape_cast %mul3A_368 : vector<16xf32> to vector<1x1x16xf32>
        tpu.vector_store %arg6[%swap3A_370, %swap3A_371, %swap3A_372], %swap3A_375 {strides = array<i32>} : memref<4x128x128xf32, #tpu.memory_space<vmem>>, vector<1x1x16xf32>,
        %get3A_376 = arith.constant 0 : i32
        %get3A_377 = arith.index_cast %get3A_376 : i32 to index
        %get3A_378 = arith.index_cast %scan3A_281 : i32 to index
        %get3A_379 = arith.constant 96 : index
        %get3A_380 = tpu.vector_load %arg6[%get3A_377, %get3A_378, %get3A_379] {strides = array<i32>} : memref<4x128x128xf32, #tpu.memory_space<vmem>>, vector<1x1x16xf32>,
        %get3A_381 = vector.shape_cast %get3A_380 : vector<1x1x16xf32> to vector<16xf32>
        %mul3A_382 = arith.constant 11.3137083 : f32
        %mul3A_383 = vector.broadcast %mul3A_382 : f32 to vector<16xf32>
        %mul3A_384 = arith.mulf %get3A_381, %mul3A_383 : vector<16xf32>
        %swap3A_385 = arith.constant 0 : i32
        %swap3A_386 = arith.index_cast %swap3A_385 : i32 to index
        %swap3A_387 = arith.index_cast %scan3A_281 : i32 to index
        %swap3A_388 = arith.constant 96 : index
        %swap3A_389 = tpu.vector_load %arg6[%swap3A_386, %swap3A_387, %swap3A_388] {strides = array<i32>} : memref<4x128x128xf32, #tpu.memory_space<vmem>>, vector<1x1x16xf32>,
        %swap3A_390 = vector.shape_cast %swap3A_389 : vector<1x1x16xf32> to vector<16xf32>
        %swap3A_391 = vector.shape_cast %mul3A_384 : vector<16xf32> to vector<1x1x16xf32>
        tpu.vector_store %arg6[%swap3A_386, %swap3A_387, %swap3A_388], %swap3A_391 {strides = array<i32>} : memref<4x128x128xf32, #tpu.memory_space<vmem>>, vector<1x1x16xf32>,
        %get3A_392 = arith.constant 0 : i32
        %get3A_393 = arith.index_cast %get3A_392 : i32 to index
        %get3A_394 = arith.index_cast %scan3A_281 : i32 to index
        %get3A_395 = arith.constant 112 : index
        %get3A_396 = tpu.vector_load %arg6[%get3A_393, %get3A_394, %get3A_395] {strides = array<i32>} : memref<4x128x128xf32, #tpu.memory_space<vmem>>, vector<1x1x16xf32>,
        %get3A_397 = vector.shape_cast %get3A_396 : vector<1x1x16xf32> to vector<16xf32>
        %mul3A_398 = arith.constant 11.3137083 : f32
        %mul3A_399 = vector.broadcast %mul3A_398 : f32 to vector<16xf32>
        %mul3A_400 = arith.mulf %get3A_397, %mul3A_399 : vector<16xf32>
        %swap3A_401 = arith.constant 0 : i32
        %swap3A_402 = arith.index_cast %swap3A_401 : i32 to index
        %swap3A_403 = arith.index_cast %scan3A_281 : i32 to index
        %swap3A_404 = arith.constant 112 : index
        %swap3A_405 = tpu.vector_load %arg6[%swap3A_402, %swap3A_403, %swap3A_404] {strides = array<i32>} : memref<4x128x128xf32, #tpu.memory_space<vmem>>, vector<1x1x16xf32>,
        %swap3A_406 = vector.shape_cast %swap3A_405 : vector<1x1x16xf32> to vector<16xf32>
        %swap3A_407 = vector.shape_cast %mul3A_400 : vector<16xf32> to vector<1x1x16xf32>
        tpu.vector_store %arg6[%swap3A_402, %swap3A_403, %swap3A_404], %swap3A_407 {strides = array<i32>} : memref<4x128x128xf32, #tpu.memory_space<vmem>>, vector<1x1x16xf32>,
      }
      %scan3A_90 = arith.constant 128 : i32
      %mul3A_91 = arith.constant 128 : i32
      %mul3A_92 = arith.muli %mul3A_54, %mul3A_91 : i32
      %add3A_93 = arith.addi %mul3A_2, %mul3A_92 : i32
      %dma_start3A_94 = arith.constant 0 : i32
      %dma_start3A_95 = arith.constant 0 : i32
      %dma_start3A_96 = arith.constant 0 : i32
      %dma_start3A_97 = tpu.memref_slice %arg6[%dma_start3A_94, %dma_start3A_95, %dma_start3A_96] : memref<4x128x128xf32, #tpu.memory_space<vmem>> -> memref<1x128x128xf32, #tpu.memory_space<vmem>>
      %dma_start3A_98 = tpu.memref_squeeze %dma_start3A_97 : memref<1x128x128xf32, #tpu.memory_space<vmem>> -> memref<128x128xf32, #tpu.memory_space<vmem>>
      %dma_start3A_99 = arith.constant 0 : i32
      %dma_start3A_100 = tpu.memref_slice %arg4[%add3A_93, %dma_start3A_99] : memref<819200x128xf32, #tpu.memory_space<hbm>> -> memref<128x128xf32, #tpu.memory_space<hbm>>
      %dma_start3A_101 = arith.constant 0 : i32
      %dma_start3A_102 = tpu.memref_slice %arg4[%add3A_93, %dma_start3A_101] : memref<819200x128xf32, #tpu.memory_space<hbm>> -> memref<128x128xf32, #tpu.memory_space<hbm>>
      %dma_start3A_103 = arith.constant 0 : i32
      %dma_start3A_104 = arith.constant 0 : i32
      %dma_start3A_105 = tpu.memref_slice %arg6[%dma_start3A_94, %dma_start3A_103, %dma_start3A_104] : memref<4x128x128xf32, #tpu.memory_space<vmem>> -> memref<1x128x128xf32, #tpu.memory_space<vmem>>
      %dma_start3A_106 = tpu.memref_squeeze %dma_start3A_105 : memref<1x128x128xf32, #tpu.memory_space<vmem>> -> memref<128x128xf32, #tpu.memory_space<vmem>>
      tpu.enqueue_dma source(%dma_start3A_106 : memref<128x128xf32, #tpu.memory_space<vmem>>) target(%dma_start3A_102 : memref<128x128xf32, #tpu.memory_space<hbm>>) target_semaphore(%arg11 : memref<!tpu.dma_semaphore, #tpu.memory_space<semaphore_mem>>)
      %gt3A_107 = arith.constant 0 : i32
      %gt3A_108 = arith.cmpi sgt, %scan3A_52, %gt3A_107 : i32
      %convert_element_type3A_109 = arith.extui %gt3A_108 : i1 to i32
      %cond3A_110 = arith.constant 0 : i32
      %cond3A_111 = arith.cmpi ne, %convert_element_type3A_109, %cond3A_110 : i32
      scf.if %cond3A_111 {
        %dma_wait3A_281 = arith.constant 3 : i32
        %dma_wait3A_282 = arith.constant 0 : i32
        %dma_wait3A_283 = arith.constant 0 : i32
        %dma_wait3A_284 = tpu.memref_slice %arg6[%dma_wait3A_281, %dma_wait3A_282, %dma_wait3A_283] : memref<4x128x128xf32, #tpu.memory_space<vmem>> -> memref<1x128x128xf32, #tpu.memory_space<vmem>>
        %dma_wait3A_285 = tpu.memref_squeeze %dma_wait3A_284 : memref<1x128x128xf32, #tpu.memory_space<vmem>> -> memref<128x128xf32, #tpu.memory_space<vmem>>
        %dma_wait3A_286 = arith.constant 0 : i32
        %dma_wait3A_287 = tpu.memref_slice %arg4[%mul3A_2, %dma_wait3A_286] : memref<819200x128xf32, #tpu.memory_space<hbm>> -> memref<128x128xf32, #tpu.memory_space<hbm>>
        %dma_wait3A_288 = arith.constant 0 : i32
        %dma_wait3A_289 = tpu.memref_slice %arg4[%mul3A_2, %dma_wait3A_288] : memref<819200x128xf32, #tpu.memory_space<hbm>> -> memref<128x128xf32, #tpu.memory_space<hbm>>
        %dma_wait3A_290 = arith.constant 0 : i32
        %dma_wait3A_291 = arith.constant 0 : i32
        %dma_wait3A_292 = tpu.memref_slice %arg6[%dma_wait3A_281, %dma_wait3A_290, %dma_wait3A_291] : memref<4x128x128xf32, #tpu.memory_space<vmem>> -> memref<1x128x128xf32, #tpu.memory_space<vmem>>
        %dma_wait3A_293 = tpu.memref_squeeze %dma_wait3A_292 : memref<1x128x128xf32, #tpu.memory_space<vmem>> -> memref<128x128xf32, #tpu.memory_space<vmem>>
        tpu.wait_dma2 semaphore(%arg14 : memref<!tpu.dma_semaphore, #tpu.memory_space<semaphore_mem>>) src(%dma_wait3A_293 : memref<128x128xf32, #tpu.memory_space<vmem>>) dst(%dma_wait3A_289 : memref<128x128xf32, #tpu.memory_space<hbm>>)
      } else {
      }
      %add3A_112 = arith.constant 3 : i32
      %add3A_113 = arith.addi %mul3A_54, %add3A_112 : i32
      %mul3A_114 = arith.constant 128 : i32
      %mul3A_115 = arith.muli %add3A_113, %mul3A_114 : i32
      %dma_start3A_116 = arith.constant 3 : i32
      %dma_start3A_117 = arith.constant 0 : i32
      %dma_start3A_118 = arith.constant 0 : i32
      %dma_start3A_119 = tpu.memref_slice %arg6[%dma_start3A_116, %dma_start3A_117, %dma_start3A_118] : memref<4x128x128xf32, #tpu.memory_space<vmem>> -> memref<1x128x128xf32, #tpu.memory_space<vmem>>
      %dma_start3A_120 = tpu.memref_squeeze %dma_start3A_119 : memref<1x128x128xf32, #tpu.memory_space<vmem>> -> memref<128x128xf32, #tpu.memory_space<vmem>>
      %dma_start3A_121 = tpu.memref_slice %arg5[%mul3A_115] : memref<25600xi32, #tpu.memory_space<vmem>> -> memref<128xi32, #tpu.memory_space<vmem>>
      %dma_start3A_122 = arith.constant 0 : i32
      %dma_start3A_123 = arith.constant 0 : i32
      %dma_start3A_124 = tpu.memref_slice %arg2[%dma_start3A_122, %dma_start3A_123] : memref<100000x128xf32, #tpu.memory_space<hbm>> -> memref<100000x128xf32, #tpu.memory_space<hbm>>
      tpu.enqueue_indirect_dma source(%dma_start3A_124 : memref<100000x128xf32, #tpu.memory_space<hbm>>) target(%dma_start3A_120 : memref<128x128xf32, #tpu.memory_space<vmem>>) offsets(%dma_start3A_121 : memref<128xi32, #tpu.memory_space<vmem>>) semaphore(%arg10 : memref<!tpu.dma_semaphore, #tpu.memory_space<semaphore_mem>>)
      %dma_wait3A_125 = arith.constant 1 : i32
      %dma_wait3A_126 = arith.constant 0 : i32
      %dma_wait3A_127 = arith.constant 0 : i32
      %dma_wait3A_128 = tpu.memref_slice %arg6[%dma_wait3A_125, %dma_wait3A_126, %dma_wait3A_127] : memref<4x128x128xf32, #tpu.memory_space<vmem>> -> memref<1x128x128xf32, #tpu.memory_space<vmem>>
      %dma_wait3A_129 = tpu.memref_squeeze %dma_wait3A_128 : memref<1x128x128xf32, #tpu.memory_space<vmem>> -> memref<128x128xf32, #tpu.memory_space<vmem>>
      %dma_wait3A_130 = arith.constant 0 : i32
      %dma_wait3A_131 = arith.constant 0 : i32
      %dma_wait3A_132 = tpu.memref_slice %arg2[%dma_wait3A_130, %dma_wait3A_131] : memref<100000x128xf32, #tpu.memory_space<hbm>> -> memref<128x128xf32, #tpu.memory_space<hbm>>
      %dma_wait3A_133 = arith.constant 0 : i32
      %dma_wait3A_134 = arith.constant 0 : i32
      %dma_wait3A_135 = tpu.memref_slice %arg6[%dma_wait3A_125, %dma_wait3A_133, %dma_wait3A_134] : memref<4x128x128xf32, #tpu.memory_space<vmem>> -> memref<1x128x128xf32, #tpu.memory_space<vmem>>
      %dma_wait3A_136 = tpu.memref_squeeze %dma_wait3A_135 : memref<1x128x128xf32, #tpu.memory_space<vmem>> -> memref<128x128xf32, #tpu.memory_space<vmem>>
      %dma_wait3A_137 = arith.constant 0 : i32
      %dma_wait3A_138 = arith.constant 0 : i32
      %dma_wait3A_139 = tpu.memref_slice %arg2[%dma_wait3A_137, %dma_wait3A_138] : memref<100000x128xf32, #tpu.memory_space<hbm>> -> memref<128x128xf32, #tpu.memory_space<hbm>>
      tpu.wait_dma2 semaphore(%arg8 : memref<!tpu.dma_semaphore, #tpu.memory_space<semaphore_mem>>) src(%dma_wait3A_139 : memref<128x128xf32, #tpu.memory_space<hbm>>) dst(%dma_wait3A_136 : memref<128x128xf32, #tpu.memory_space<vmem>>)
      %scan3A_140 = arith.constant 0 : i32
      %scan3A_141 = arith.constant 0 : i32
      %scan3A_142 = arith.constant 128 : i32
      %scan3A_143 = arith.addi %scan3A_141, %scan3A_142 : i32
      %scan3A_144 = arith.constant 1 : i32
      scf.for %scan3A_281 = %scan3A_141 to %scan3A_143 step %scan3A_144  : i32 {
        %get3A = arith.constant 1 : i32
        %get3A_282 = arith.index_cast %get3A : i32 to index
        %get3A_283 = arith.index_cast %scan3A_281 : i32 to index
        %get3A_284 = arith.constant 0 : index
        %get3A_285 = tpu.vector_load %arg6[%get3A_282, %get3A_283, %get3A_284] {strides = array<i32>} : memref<4x128x128xf32, #tpu.memory_space<vmem>>, vector<1x1x16xf32>,
        %get3A_286 = vector.shape_cast %get3A_285 : vector<1x1x16xf32> to vector<16xf32>
        %mul3A_287 = arith.constant 11.3137083 : f32
        %mul3A_288 = vector.broadcast %mul3A_287 : f32 to vector<16xf32>
        %mul3A_289 = arith.mulf %get3A_286, %mul3A_288 : vector<16xf32>
        %swap3A = arith.constant 1 : i32
        %swap3A_290 = arith.index_cast %swap3A : i32 to index
        %swap3A_291 = arith.index_cast %scan3A_281 : i32 to index
        %swap3A_292 = arith.constant 0 : index
        %swap3A_293 = tpu.vector_load %arg6[%swap3A_290, %swap3A_291, %swap3A_292] {strides = array<i32>} : memref<4x128x128xf32, #tpu.memory_space<vmem>>, vector<1x1x16xf32>,
        %swap3A_294 = vector.shape_cast %swap3A_293 : vector<1x1x16xf32> to vector<16xf32>
        %swap3A_295 = vector.shape_cast %mul3A_289 : vector<16xf32> to vector<1x1x16xf32>
        tpu.vector_store %arg6[%swap3A_290, %swap3A_291, %swap3A_292], %swap3A_295 {strides = array<i32>} : memref<4x128x128xf32, #tpu.memory_space<vmem>>, vector<1x1x16xf32>,
        %get3A_296 = arith.constant 1 : i32
        %get3A_297 = arith.index_cast %get3A_296 : i32 to index
        %get3A_298 = arith.index_cast %scan3A_281 : i32 to index
        %get3A_299 = arith.constant 16 : index
        %get3A_300 = tpu.vector_load %arg6[%get3A_297, %get3A_298, %get3A_299] {strides = array<i32>} : memref<4x128x128xf32, #tpu.memory_space<vmem>>, vector<1x1x16xf32>,
        %get3A_301 = vector.shape_cast %get3A_300 : vector<1x1x16xf32> to vector<16xf32>
        %mul3A_302 = arith.constant 11.3137083 : f32
        %mul3A_303 = vector.broadcast %mul3A_302 : f32 to vector<16xf32>
        %mul3A_304 = arith.mulf %get3A_301, %mul3A_303 : vector<16xf32>
        %swap3A_305 = arith.constant 1 : i32
        %swap3A_306 = arith.index_cast %swap3A_305 : i32 to index
        %swap3A_307 = arith.index_cast %scan3A_281 : i32 to index
        %swap3A_308 = arith.constant 16 : index
        %swap3A_309 = tpu.vector_load %arg6[%swap3A_306, %swap3A_307, %swap3A_308] {strides = array<i32>} : memref<4x128x128xf32, #tpu.memory_space<vmem>>, vector<1x1x16xf32>,
        %swap3A_310 = vector.shape_cast %swap3A_309 : vector<1x1x16xf32> to vector<16xf32>
        %swap3A_311 = vector.shape_cast %mul3A_304 : vector<16xf32> to vector<1x1x16xf32>
        tpu.vector_store %arg6[%swap3A_306, %swap3A_307, %swap3A_308], %swap3A_311 {strides = array<i32>} : memref<4x128x128xf32, #tpu.memory_space<vmem>>, vector<1x1x16xf32>,
        %get3A_312 = arith.constant 1 : i32
        %get3A_313 = arith.index_cast %get3A_312 : i32 to index
        %get3A_314 = arith.index_cast %scan3A_281 : i32 to index
        %get3A_315 = arith.constant 32 : index
        %get3A_316 = tpu.vector_load %arg6[%get3A_313, %get3A_314, %get3A_315] {strides = array<i32>} : memref<4x128x128xf32, #tpu.memory_space<vmem>>, vector<1x1x16xf32>,
        %get3A_317 = vector.shape_cast %get3A_316 : vector<1x1x16xf32> to vector<16xf32>
        %mul3A_318 = arith.constant 11.3137083 : f32
        %mul3A_319 = vector.broadcast %mul3A_318 : f32 to vector<16xf32>
        %mul3A_320 = arith.mulf %get3A_317, %mul3A_319 : vector<16xf32>
        %swap3A_321 = arith.constant 1 : i32
        %swap3A_322 = arith.index_cast %swap3A_321 : i32 to index
        %swap3A_323 = arith.index_cast %scan3A_281 : i32 to index
        %swap3A_324 = arith.constant 32 : index
        %swap3A_325 = tpu.vector_load %arg6[%swap3A_322, %swap3A_323, %swap3A_324] {strides = array<i32>} : memref<4x128x128xf32, #tpu.memory_space<vmem>>, vector<1x1x16xf32>,
        %swap3A_326 = vector.shape_cast %swap3A_325 : vector<1x1x16xf32> to vector<16xf32>
        %swap3A_327 = vector.shape_cast %mul3A_320 : vector<16xf32> to vector<1x1x16xf32>
        tpu.vector_store %arg6[%swap3A_322, %swap3A_323, %swap3A_324], %swap3A_327 {strides = array<i32>} : memref<4x128x128xf32, #tpu.memory_space<vmem>>, vector<1x1x16xf32>,
        %get3A_328 = arith.constant 1 : i32
        %get3A_329 = arith.index_cast %get3A_328 : i32 to index
        %get3A_330 = arith.index_cast %scan3A_281 : i32 to index
        %get3A_331 = arith.constant 48 : index
        %get3A_332 = tpu.vector_load %arg6[%get3A_329, %get3A_330, %get3A_331] {strides = array<i32>} : memref<4x128x128xf32, #tpu.memory_space<vmem>>, vector<1x1x16xf32>,
        %get3A_333 = vector.shape_cast %get3A_332 : vector<1x1x16xf32> to vector<16xf32>
        %mul3A_334 = arith.constant 11.3137083 : f32
        %mul3A_335 = vector.broadcast %mul3A_334 : f32 to vector<16xf32>
        %mul3A_336 = arith.mulf %get3A_333, %mul3A_335 : vector<16xf32>
        %swap3A_337 = arith.constant 1 : i32
        %swap3A_338 = arith.index_cast %swap3A_337 : i32 to index
        %swap3A_339 = arith.index_cast %scan3A_281 : i32 to index
        %swap3A_340 = arith.constant 48 : index
        %swap3A_341 = tpu.vector_load %arg6[%swap3A_338, %swap3A_339, %swap3A_340] {strides = array<i32>} : memref<4x128x128xf32, #tpu.memory_space<vmem>>, vector<1x1x16xf32>,
        %swap3A_342 = vector.shape_cast %swap3A_341 : vector<1x1x16xf32> to vector<16xf32>
        %swap3A_343 = vector.shape_cast %mul3A_336 : vector<16xf32> to vector<1x1x16xf32>
        tpu.vector_store %arg6[%swap3A_338, %swap3A_339, %swap3A_340], %swap3A_343 {strides = array<i32>} : memref<4x128x128xf32, #tpu.memory_space<vmem>>, vector<1x1x16xf32>,
        %get3A_344 = arith.constant 1 : i32
        %get3A_345 = arith.index_cast %get3A_344 : i32 to index
        %get3A_346 = arith.index_cast %scan3A_281 : i32 to index
        %get3A_347 = arith.constant 64 : index
        %get3A_348 = tpu.vector_load %arg6[%get3A_345, %get3A_346, %get3A_347] {strides = array<i32>} : memref<4x128x128xf32, #tpu.memory_space<vmem>>, vector<1x1x16xf32>,
        %get3A_349 = vector.shape_cast %get3A_348 : vector<1x1x16xf32> to vector<16xf32>
        %mul3A_350 = arith.constant 11.3137083 : f32
        %mul3A_351 = vector.broadcast %mul3A_350 : f32 to vector<16xf32>
        %mul3A_352 = arith.mulf %get3A_349, %mul3A_351 : vector<16xf32>
        %swap3A_353 = arith.constant 1 : i32
        %swap3A_354 = arith.index_cast %swap3A_353 : i32 to index
        %swap3A_355 = arith.index_cast %scan3A_281 : i32 to index
        %swap3A_356 = arith.constant 64 : index
        %swap3A_357 = tpu.vector_load %arg6[%swap3A_354, %swap3A_355, %swap3A_356] {strides = array<i32>} : memref<4x128x128xf32, #tpu.memory_space<vmem>>, vector<1x1x16xf32>,
        %swap3A_358 = vector.shape_cast %swap3A_357 : vector<1x1x16xf32> to vector<16xf32>
        %swap3A_359 = vector.shape_cast %mul3A_352 : vector<16xf32> to vector<1x1x16xf32>
        tpu.vector_store %arg6[%swap3A_354, %swap3A_355, %swap3A_356], %swap3A_359 {strides = array<i32>} : memref<4x128x128xf32, #tpu.memory_space<vmem>>, vector<1x1x16xf32>,
        %get3A_360 = arith.constant 1 : i32
        %get3A_361 = arith.index_cast %get3A_360 : i32 to index
        %get3A_362 = arith.index_cast %scan3A_281 : i32 to index
        %get3A_363 = arith.constant 80 : index
        %get3A_364 = tpu.vector_load %arg6[%get3A_361, %get3A_362, %get3A_363] {strides = array<i32>} : memref<4x128x128xf32, #tpu.memory_space<vmem>>, vector<1x1x16xf32>,
        %get3A_365 = vector.shape_cast %get3A_364 : vector<1x1x16xf32> to vector<16xf32>
        %mul3A_366 = arith.constant 11.3137083 : f32
        %mul3A_367 = vector.broadcast %mul3A_366 : f32 to vector<16xf32>
        %mul3A_368 = arith.mulf %get3A_365, %mul3A_367 : vector<16xf32>
        %swap3A_369 = arith.constant 1 : i32
        %swap3A_370 = arith.index_cast %swap3A_369 : i32 to index
        %swap3A_371 = arith.index_cast %scan3A_281 : i32 to index
        %swap3A_372 = arith.constant 80 : index
        %swap3A_373 = tpu.vector_load %arg6[%swap3A_370, %swap3A_371, %swap3A_372] {strides = array<i32>} : memref<4x128x128xf32, #tpu.memory_space<vmem>>, vector<1x1x16xf32>,
        %swap3A_374 = vector.shape_cast %swap3A_373 : vector<1x1x16xf32> to vector<16xf32>
        %swap3A_375 = vector.shape_cast %mul3A_368 : vector<16xf32> to vector<1x1x16xf32>
        tpu.vector_store %arg6[%swap3A_370, %swap3A_371, %swap3A_372], %swap3A_375 {strides = array<i32>} : memref<4x128x128xf32, #tpu.memory_space<vmem>>, vector<1x1x16xf32>,
        %get3A_376 = arith.constant 1 : i32
        %get3A_377 = arith.index_cast %get3A_376 : i32 to index
        %get3A_378 = arith.index_cast %scan3A_281 : i32 to index
        %get3A_379 = arith.constant 96 : index
        %get3A_380 = tpu.vector_load %arg6[%get3A_377, %get3A_378, %get3A_379] {strides = array<i32>} : memref<4x128x128xf32, #tpu.memory_space<vmem>>, vector<1x1x16xf32>,
        %get3A_381 = vector.shape_cast %get3A_380 : vector<1x1x16xf32> to vector<16xf32>
        %mul3A_382 = arith.constant 11.3137083 : f32
        %mul3A_383 = vector.broadcast %mul3A_382 : f32 to vector<16xf32>
        %mul3A_384 = arith.mulf %get3A_381, %mul3A_383 : vector<16xf32>
        %swap3A_385 = arith.constant 1 : i32
        %swap3A_386 = arith.index_cast %swap3A_385 : i32 to index
        %swap3A_387 = arith.index_cast %scan3A_281 : i32 to index
        %swap3A_388 = arith.constant 96 : index
        %swap3A_389 = tpu.vector_load %arg6[%swap3A_386, %swap3A_387, %swap3A_388] {strides = array<i32>} : memref<4x128x128xf32, #tpu.memory_space<vmem>>, vector<1x1x16xf32>,
        %swap3A_390 = vector.shape_cast %swap3A_389 : vector<1x1x16xf32> to vector<16xf32>
        %swap3A_391 = vector.shape_cast %mul3A_384 : vector<16xf32> to vector<1x1x16xf32>
        tpu.vector_store %arg6[%swap3A_386, %swap3A_387, %swap3A_388], %swap3A_391 {strides = array<i32>} : memref<4x128x128xf32, #tpu.memory_space<vmem>>, vector<1x1x16xf32>,
        %get3A_392 = arith.constant 1 : i32
        %get3A_393 = arith.index_cast %get3A_392 : i32 to index
        %get3A_394 = arith.index_cast %scan3A_281 : i32 to index
        %get3A_395 = arith.constant 112 : index
        %get3A_396 = tpu.vector_load %arg6[%get3A_393, %get3A_394, %get3A_395] {strides = array<i32>} : memref<4x128x128xf32, #tpu.memory_space<vmem>>, vector<1x1x16xf32>,
        %get3A_397 = vector.shape_cast %get3A_396 : vector<1x1x16xf32> to vector<16xf32>
        %mul3A_398 = arith.constant 11.3137083 : f32
        %mul3A_399 = vector.broadcast %mul3A_398 : f32 to vector<16xf32>
        %mul3A_400 = arith.mulf %get3A_397, %mul3A_399 : vector<16xf32>
        %swap3A_401 = arith.constant 1 : i32
        %swap3A_402 = arith.index_cast %swap3A_401 : i32 to index
        %swap3A_403 = arith.index_cast %scan3A_281 : i32 to index
        %swap3A_404 = arith.constant 112 : index
        %swap3A_405 = tpu.vector_load %arg6[%swap3A_402, %swap3A_403, %swap3A_404] {strides = array<i32>} : memref<4x128x128xf32, #tpu.memory_space<vmem>>, vector<1x1x16xf32>,
        %swap3A_406 = vector.shape_cast %swap3A_405 : vector<1x1x16xf32> to vector<16xf32>
        %swap3A_407 = vector.shape_cast %mul3A_400 : vector<16xf32> to vector<1x1x16xf32>
        tpu.vector_store %arg6[%swap3A_402, %swap3A_403, %swap3A_404], %swap3A_407 {strides = array<i32>} : memref<4x128x128xf32, #tpu.memory_space<vmem>>, vector<1x1x16xf32>,
      }
      %scan3A_145 = arith.constant 128 : i32
      %add3A_146 = arith.constant 1 : i32
      %add3A_147 = arith.addi %mul3A_54, %add3A_146 : i32
      %mul3A_148 = arith.constant 128 : i32
      %mul3A_149 = arith.muli %add3A_147, %mul3A_148 : i32
      %add3A_150 = arith.addi %mul3A_2, %mul3A_149 : i32
      %dma_start3A_151 = arith.constant 1 : i32
      %dma_start3A_152 = arith.constant 0 : i32
      %dma_start3A_153 = arith.constant 0 : i32
      %dma_start3A_154 = tpu.memref_slice %arg6[%dma_start3A_151, %dma_start3A_152, %dma_start3A_153] : memref<4x128x128xf32, #tpu.memory_space<vmem>> -> memref<1x128x128xf32, #tpu.memory_space<vmem>>
      %dma_start3A_155 = tpu.memref_squeeze %dma_start3A_154 : memref<1x128x128xf32, #tpu.memory_space<vmem>> -> memref<128x128xf32, #tpu.memory_space<vmem>>
      %dma_start3A_156 = arith.constant 0 : i32
      %dma_start3A_157 = tpu.memref_slice %arg4[%add3A_150, %dma_start3A_156] : memref<819200x128xf32, #tpu.memory_space<hbm>> -> memref<128x128xf32, #tpu.memory_space<hbm>>
      %dma_start3A_158 = arith.constant 0 : i32
      %dma_start3A_159 = tpu.memref_slice %arg4[%add3A_150, %dma_start3A_158] : memref<819200x128xf32, #tpu.memory_space<hbm>> -> memref<128x128xf32, #tpu.memory_space<hbm>>
      %dma_start3A_160 = arith.constant 0 : i32
      %dma_start3A_161 = arith.constant 0 : i32
      %dma_start3A_162 = tpu.memref_slice %arg6[%dma_start3A_151, %dma_start3A_160, %dma_start3A_161] : memref<4x128x128xf32, #tpu.memory_space<vmem>> -> memref<1x128x128xf32, #tpu.memory_space<vmem>>
      %dma_start3A_163 = tpu.memref_squeeze %dma_start3A_162 : memref<1x128x128xf32, #tpu.memory_space<vmem>> -> memref<128x128xf32, #tpu.memory_space<vmem>>
      tpu.enqueue_dma source(%dma_start3A_163 : memref<128x128xf32, #tpu.memory_space<vmem>>) target(%dma_start3A_159 : memref<128x128xf32, #tpu.memory_space<hbm>>) target_semaphore(%arg12 : memref<!tpu.dma_semaphore, #tpu.memory_space<semaphore_mem>>)
      %dma_wait3A_164 = arith.constant 0 : i32
      %dma_wait3A_165 = arith.constant 0 : i32
      %dma_wait3A_166 = arith.constant 0 : i32
      %dma_wait3A_167 = tpu.memref_slice %arg6[%dma_wait3A_164, %dma_wait3A_165, %dma_wait3A_166] : memref<4x128x128xf32, #tpu.memory_space<vmem>> -> memref<1x128x128xf32, #tpu.memory_space<vmem>>
      %dma_wait3A_168 = tpu.memref_squeeze %dma_wait3A_167 : memref<1x128x128xf32, #tpu.memory_space<vmem>> -> memref<128x128xf32, #tpu.memory_space<vmem>>
      %dma_wait3A_169 = arith.constant 0 : i32
      %dma_wait3A_170 = tpu.memref_slice %arg4[%mul3A_2, %dma_wait3A_169] : memref<819200x128xf32, #tpu.memory_space<hbm>> -> memref<128x128xf32, #tpu.memory_space<hbm>>
      %dma_wait3A_171 = arith.constant 0 : i32
      %dma_wait3A_172 = tpu.memref_slice %arg4[%mul3A_2, %dma_wait3A_171] : memref<819200x128xf32, #tpu.memory_space<hbm>> -> memref<128x128xf32, #tpu.memory_space<hbm>>
      %dma_wait3A_173 = arith.constant 0 : i32
      %dma_wait3A_174 = arith.constant 0 : i32
      %dma_wait3A_175 = tpu.memref_slice %arg6[%dma_wait3A_164, %dma_wait3A_173, %dma_wait3A_174] : memref<4x128x128xf32, #tpu.memory_space<vmem>> -> memref<1x128x128xf32, #tpu.memory_space<vmem>>
      %dma_wait3A_176 = tpu.memref_squeeze %dma_wait3A_175 : memref<1x128x128xf32, #tpu.memory_space<vmem>> -> memref<128x128xf32, #tpu.memory_space<vmem>>
      tpu.wait_dma2 semaphore(%arg11 : memref<!tpu.dma_semaphore, #tpu.memory_space<semaphore_mem>>) src(%dma_wait3A_176 : memref<128x128xf32, #tpu.memory_space<vmem>>) dst(%dma_wait3A_172 : memref<128x128xf32, #tpu.memory_space<hbm>>)
      %add3A_177 = arith.constant 1 : i32
      %add3A_178 = arith.addi %scan3A_52, %add3A_177 : i32
      %lt3A = arith.constant 50 : i32
      %lt3A_179 = arith.cmpi slt, %add3A_178, %lt3A : i32
      %convert_element_type3A_180 = arith.extui %lt3A_179 : i1 to i32
      %cond3A_181 = arith.constant 0 : i32
      %cond3A_182 = arith.cmpi ne, %convert_element_type3A_180, %cond3A_181 : i32
      scf.if %cond3A_182 {
        %add3A_281 = arith.constant 4 : i32
        %add3A_282 = arith.addi %mul3A_54, %add3A_281 : i32
        %mul3A_283 = arith.constant 128 : i32
        %mul3A_284 = arith.muli %add3A_282, %mul3A_283 : i32
        %dma_start3A_285 = arith.constant 0 : i32
        %dma_start3A_286 = arith.constant 0 : i32
        %dma_start3A_287 = arith.constant 0 : i32
        %dma_start3A_288 = tpu.memref_slice %arg6[%dma_start3A_285, %dma_start3A_286, %dma_start3A_287] : memref<4x128x128xf32, #tpu.memory_space<vmem>> -> memref<1x128x128xf32, #tpu.memory_space<vmem>>
        %dma_start3A_289 = tpu.memref_squeeze %dma_start3A_288 : memref<1x128x128xf32, #tpu.memory_space<vmem>> -> memref<128x128xf32, #tpu.memory_space<vmem>>
        %dma_start3A_290 = tpu.memref_slice %arg5[%mul3A_284] : memref<25600xi32, #tpu.memory_space<vmem>> -> memref<128xi32, #tpu.memory_space<vmem>>
        %dma_start3A_291 = arith.constant 0 : i32
        %dma_start3A_292 = arith.constant 0 : i32
        %dma_start3A_293 = tpu.memref_slice %arg2[%dma_start3A_291, %dma_start3A_292] : memref<100000x128xf32, #tpu.memory_space<hbm>> -> memref<100000x128xf32, #tpu.memory_space<hbm>>
        tpu.enqueue_indirect_dma source(%dma_start3A_293 : memref<100000x128xf32, #tpu.memory_space<hbm>>) target(%dma_start3A_289 : memref<128x128xf32, #tpu.memory_space<vmem>>) offsets(%dma_start3A_290 : memref<128xi32, #tpu.memory_space<vmem>>) semaphore(%arg7 : memref<!tpu.dma_semaphore, #tpu.memory_space<semaphore_mem>>)
      } else {
      }
      %dma_wait3A_183 = arith.constant 2 : i32
      %dma_wait3A_184 = arith.constant 0 : i32
      %dma_wait3A_185 = arith.constant 0 : i32
      %dma_wait3A_186 = tpu.memref_slice %arg6[%dma_wait3A_183, %dma_wait3A_184, %dma_wait3A_185] : memref<4x128x128xf32, #tpu.memory_space<vmem>> -> memref<1x128x128xf32, #tpu.memory_space<vmem>>
      %dma_wait3A_187 = tpu.memref_squeeze %dma_wait3A_186 : memref<1x128x128xf32, #tpu.memory_space<vmem>> -> memref<128x128xf32, #tpu.memory_space<vmem>>
      %dma_wait3A_188 = arith.constant 0 : i32
      %dma_wait3A_189 = arith.constant 0 : i32
      %dma_wait3A_190 = tpu.memref_slice %arg2[%dma_wait3A_188, %dma_wait3A_189] : memref<100000x128xf32, #tpu.memory_space<hbm>> -> memref<128x128xf32, #tpu.memory_space<hbm>>
      %dma_wait3A_191 = arith.constant 0 : i32
      %dma_wait3A_192 = arith.constant 0 : i32
      %dma_wait3A_193 = tpu.memref_slice %arg6[%dma_wait3A_183, %dma_wait3A_191, %dma_wait3A_192] : memref<4x128x128xf32, #tpu.memory_space<vmem>> -> memref<1x128x128xf32, #tpu.memory_space<vmem>>
      %dma_wait3A_194 = tpu.memref_squeeze %dma_wait3A_193 : memref<1x128x128xf32, #tpu.memory_space<vmem>> -> memref<128x128xf32, #tpu.memory_space<vmem>>
      %dma_wait3A_195 = arith.constant 0 : i32
      %dma_wait3A_196 = arith.constant 0 : i32
      %dma_wait3A_197 = tpu.memref_slice %arg2[%dma_wait3A_195, %dma_wait3A_196] : memref<100000x128xf32, #tpu.memory_space<hbm>> -> memref<128x128xf32, #tpu.memory_space<hbm>>
      tpu.wait_dma2 semaphore(%arg9 : memref<!tpu.dma_semaphore, #tpu.memory_space<semaphore_mem>>) src(%dma_wait3A_197 : memref<128x128xf32, #tpu.memory_space<hbm>>) dst(%dma_wait3A_194 : memref<128x128xf32, #tpu.memory_space<vmem>>)
      %scan3A_198 = arith.constant 0 : i32
      %scan3A_199 = arith.constant 0 : i32
      %scan3A_200 = arith.constant 128 : i32
      %scan3A_201 = arith.addi %scan3A_199, %scan3A_200 : i32
      %scan3A_202 = arith.constant 1 : i32
      scf.for %scan3A_281 = %scan3A_199 to %scan3A_201 step %scan3A_202  : i32 {
        %get3A = arith.constant 2 : i32
        %get3A_282 = arith.index_cast %get3A : i32 to index
        %get3A_283 = arith.index_cast %scan3A_281 : i32 to index
        %get3A_284 = arith.constant 0 : index
        %get3A_285 = tpu.vector_load %arg6[%get3A_282, %get3A_283, %get3A_284] {strides = array<i32>} : memref<4x128x128xf32, #tpu.memory_space<vmem>>, vector<1x1x16xf32>,
        %get3A_286 = vector.shape_cast %get3A_285 : vector<1x1x16xf32> to vector<16xf32>
        %mul3A_287 = arith.constant 11.3137083 : f32
        %mul3A_288 = vector.broadcast %mul3A_287 : f32 to vector<16xf32>
        %mul3A_289 = arith.mulf %get3A_286, %mul3A_288 : vector<16xf32>
        %swap3A = arith.constant 2 : i32
        %swap3A_290 = arith.index_cast %swap3A : i32 to index
        %swap3A_291 = arith.index_cast %scan3A_281 : i32 to index
        %swap3A_292 = arith.constant 0 : index
        %swap3A_293 = tpu.vector_load %arg6[%swap3A_290, %swap3A_291, %swap3A_292] {strides = array<i32>} : memref<4x128x128xf32, #tpu.memory_space<vmem>>, vector<1x1x16xf32>,
        %swap3A_294 = vector.shape_cast %swap3A_293 : vector<1x1x16xf32> to vector<16xf32>
        %swap3A_295 = vector.shape_cast %mul3A_289 : vector<16xf32> to vector<1x1x16xf32>
        tpu.vector_store %arg6[%swap3A_290, %swap3A_291, %swap3A_292], %swap3A_295 {strides = array<i32>} : memref<4x128x128xf32, #tpu.memory_space<vmem>>, vector<1x1x16xf32>,
        %get3A_296 = arith.constant 2 : i32
        %get3A_297 = arith.index_cast %get3A_296 : i32 to index
        %get3A_298 = arith.index_cast %scan3A_281 : i32 to index
        %get3A_299 = arith.constant 16 : index
        %get3A_300 = tpu.vector_load %arg6[%get3A_297, %get3A_298, %get3A_299] {strides = array<i32>} : memref<4x128x128xf32, #tpu.memory_space<vmem>>, vector<1x1x16xf32>,
        %get3A_301 = vector.shape_cast %get3A_300 : vector<1x1x16xf32> to vector<16xf32>
        %mul3A_302 = arith.constant 11.3137083 : f32
        %mul3A_303 = vector.broadcast %mul3A_302 : f32 to vector<16xf32>
        %mul3A_304 = arith.mulf %get3A_301, %mul3A_303 : vector<16xf32>
        %swap3A_305 = arith.constant 2 : i32
        %swap3A_306 = arith.index_cast %swap3A_305 : i32 to index
        %swap3A_307 = arith.index_cast %scan3A_281 : i32 to index
        %swap3A_308 = arith.constant 16 : index
        %swap3A_309 = tpu.vector_load %arg6[%swap3A_306, %swap3A_307, %swap3A_308] {strides = array<i32>} : memref<4x128x128xf32, #tpu.memory_space<vmem>>, vector<1x1x16xf32>,
        %swap3A_310 = vector.shape_cast %swap3A_309 : vector<1x1x16xf32> to vector<16xf32>
        %swap3A_311 = vector.shape_cast %mul3A_304 : vector<16xf32> to vector<1x1x16xf32>
        tpu.vector_store %arg6[%swap3A_306, %swap3A_307, %swap3A_308], %swap3A_311 {strides = array<i32>} : memref<4x128x128xf32, #tpu.memory_space<vmem>>, vector<1x1x16xf32>,
        %get3A_312 = arith.constant 2 : i32
        %get3A_313 = arith.index_cast %get3A_312 : i32 to index
        %get3A_314 = arith.index_cast %scan3A_281 : i32 to index
        %get3A_315 = arith.constant 32 : index
        %get3A_316 = tpu.vector_load %arg6[%get3A_313, %get3A_314, %get3A_315] {strides = array<i32>} : memref<4x128x128xf32, #tpu.memory_space<vmem>>, vector<1x1x16xf32>,
        %get3A_317 = vector.shape_cast %get3A_316 : vector<1x1x16xf32> to vector<16xf32>
        %mul3A_318 = arith.constant 11.3137083 : f32
        %mul3A_319 = vector.broadcast %mul3A_318 : f32 to vector<16xf32>
        %mul3A_320 = arith.mulf %get3A_317, %mul3A_319 : vector<16xf32>
        %swap3A_321 = arith.constant 2 : i32
        %swap3A_322 = arith.index_cast %swap3A_321 : i32 to index
        %swap3A_323 = arith.index_cast %scan3A_281 : i32 to index
        %swap3A_324 = arith.constant 32 : index
        %swap3A_325 = tpu.vector_load %arg6[%swap3A_322, %swap3A_323, %swap3A_324] {strides = array<i32>} : memref<4x128x128xf32, #tpu.memory_space<vmem>>, vector<1x1x16xf32>,
        %swap3A_326 = vector.shape_cast %swap3A_325 : vector<1x1x16xf32> to vector<16xf32>
        %swap3A_327 = vector.shape_cast %mul3A_320 : vector<16xf32> to vector<1x1x16xf32>
        tpu.vector_store %arg6[%swap3A_322, %swap3A_323, %swap3A_324], %swap3A_327 {strides = array<i32>} : memref<4x128x128xf32, #tpu.memory_space<vmem>>, vector<1x1x16xf32>,
        %get3A_328 = arith.constant 2 : i32
        %get3A_329 = arith.index_cast %get3A_328 : i32 to index
        %get3A_330 = arith.index_cast %scan3A_281 : i32 to index
        %get3A_331 = arith.constant 48 : index
        %get3A_332 = tpu.vector_load %arg6[%get3A_329, %get3A_330, %get3A_331] {strides = array<i32>} : memref<4x128x128xf32, #tpu.memory_space<vmem>>, vector<1x1x16xf32>,
        %get3A_333 = vector.shape_cast %get3A_332 : vector<1x1x16xf32> to vector<16xf32>
        %mul3A_334 = arith.constant 11.3137083 : f32
        %mul3A_335 = vector.broadcast %mul3A_334 : f32 to vector<16xf32>
        %mul3A_336 = arith.mulf %get3A_333, %mul3A_335 : vector<16xf32>
        %swap3A_337 = arith.constant 2 : i32
        %swap3A_338 = arith.index_cast %swap3A_337 : i32 to index
        %swap3A_339 = arith.index_cast %scan3A_281 : i32 to index
        %swap3A_340 = arith.constant 48 : index
        %swap3A_341 = tpu.vector_load %arg6[%swap3A_338, %swap3A_339, %swap3A_340] {strides = array<i32>} : memref<4x128x128xf32, #tpu.memory_space<vmem>>, vector<1x1x16xf32>,
        %swap3A_342 = vector.shape_cast %swap3A_341 : vector<1x1x16xf32> to vector<16xf32>
        %swap3A_343 = vector.shape_cast %mul3A_336 : vector<16xf32> to vector<1x1x16xf32>
        tpu.vector_store %arg6[%swap3A_338, %swap3A_339, %swap3A_340], %swap3A_343 {strides = array<i32>} : memref<4x128x128xf32, #tpu.memory_space<vmem>>, vector<1x1x16xf32>,
        %get3A_344 = arith.constant 2 : i32
        %get3A_345 = arith.index_cast %get3A_344 : i32 to index
        %get3A_346 = arith.index_cast %scan3A_281 : i32 to index
        %get3A_347 = arith.constant 64 : index
        %get3A_348 = tpu.vector_load %arg6[%get3A_345, %get3A_346, %get3A_347] {strides = array<i32>} : memref<4x128x128xf32, #tpu.memory_space<vmem>>, vector<1x1x16xf32>,
        %get3A_349 = vector.shape_cast %get3A_348 : vector<1x1x16xf32> to vector<16xf32>
        %mul3A_350 = arith.constant 11.3137083 : f32
        %mul3A_351 = vector.broadcast %mul3A_350 : f32 to vector<16xf32>
        %mul3A_352 = arith.mulf %get3A_349, %mul3A_351 : vector<16xf32>
        %swap3A_353 = arith.constant 2 : i32
        %swap3A_354 = arith.index_cast %swap3A_353 : i32 to index
        %swap3A_355 = arith.index_cast %scan3A_281 : i32 to index
        %swap3A_356 = arith.constant 64 : index
        %swap3A_357 = tpu.vector_load %arg6[%swap3A_354, %swap3A_355, %swap3A_356] {strides = array<i32>} : memref<4x128x128xf32, #tpu.memory_space<vmem>>, vector<1x1x16xf32>,
        %swap3A_358 = vector.shape_cast %swap3A_357 : vector<1x1x16xf32> to vector<16xf32>
        %swap3A_359 = vector.shape_cast %mul3A_352 : vector<16xf32> to vector<1x1x16xf32>
        tpu.vector_store %arg6[%swap3A_354, %swap3A_355, %swap3A_356], %swap3A_359 {strides = array<i32>} : memref<4x128x128xf32, #tpu.memory_space<vmem>>, vector<1x1x16xf32>,
        %get3A_360 = arith.constant 2 : i32
        %get3A_361 = arith.index_cast %get3A_360 : i32 to index
        %get3A_362 = arith.index_cast %scan3A_281 : i32 to index
        %get3A_363 = arith.constant 80 : index
        %get3A_364 = tpu.vector_load %arg6[%get3A_361, %get3A_362, %get3A_363] {strides = array<i32>} : memref<4x128x128xf32, #tpu.memory_space<vmem>>, vector<1x1x16xf32>,
        %get3A_365 = vector.shape_cast %get3A_364 : vector<1x1x16xf32> to vector<16xf32>
        %mul3A_366 = arith.constant 11.3137083 : f32
        %mul3A_367 = vector.broadcast %mul3A_366 : f32 to vector<16xf32>
        %mul3A_368 = arith.mulf %get3A_365, %mul3A_367 : vector<16xf32>
        %swap3A_369 = arith.constant 2 : i32
        %swap3A_370 = arith.index_cast %swap3A_369 : i32 to index
        %swap3A_371 = arith.index_cast %scan3A_281 : i32 to index
        %swap3A_372 = arith.constant 80 : index
        %swap3A_373 = tpu.vector_load %arg6[%swap3A_370, %swap3A_371, %swap3A_372] {strides = array<i32>} : memref<4x128x128xf32, #tpu.memory_space<vmem>>, vector<1x1x16xf32>,
        %swap3A_374 = vector.shape_cast %swap3A_373 : vector<1x1x16xf32> to vector<16xf32>
        %swap3A_375 = vector.shape_cast %mul3A_368 : vector<16xf32> to vector<1x1x16xf32>
        tpu.vector_store %arg6[%swap3A_370, %swap3A_371, %swap3A_372], %swap3A_375 {strides = array<i32>} : memref<4x128x128xf32, #tpu.memory_space<vmem>>, vector<1x1x16xf32>,
        %get3A_376 = arith.constant 2 : i32
        %get3A_377 = arith.index_cast %get3A_376 : i32 to index
        %get3A_378 = arith.index_cast %scan3A_281 : i32 to index
        %get3A_379 = arith.constant 96 : index
        %get3A_380 = tpu.vector_load %arg6[%get3A_377, %get3A_378, %get3A_379] {strides = array<i32>} : memref<4x128x128xf32, #tpu.memory_space<vmem>>, vector<1x1x16xf32>,
        %get3A_381 = vector.shape_cast %get3A_380 : vector<1x1x16xf32> to vector<16xf32>
        %mul3A_382 = arith.constant 11.3137083 : f32
        %mul3A_383 = vector.broadcast %mul3A_382 : f32 to vector<16xf32>
        %mul3A_384 = arith.mulf %get3A_381, %mul3A_383 : vector<16xf32>
        %swap3A_385 = arith.constant 2 : i32
        %swap3A_386 = arith.index_cast %swap3A_385 : i32 to index
        %swap3A_387 = arith.index_cast %scan3A_281 : i32 to index
        %swap3A_388 = arith.constant 96 : index
        %swap3A_389 = tpu.vector_load %arg6[%swap3A_386, %swap3A_387, %swap3A_388] {strides = array<i32>} : memref<4x128x128xf32, #tpu.memory_space<vmem>>, vector<1x1x16xf32>,
        %swap3A_390 = vector.shape_cast %swap3A_389 : vector<1x1x16xf32> to vector<16xf32>
        %swap3A_391 = vector.shape_cast %mul3A_384 : vector<16xf32> to vector<1x1x16xf32>
        tpu.vector_store %arg6[%swap3A_386, %swap3A_387, %swap3A_388], %swap3A_391 {strides = array<i32>} : memref<4x128x128xf32, #tpu.memory_space<vmem>>, vector<1x1x16xf32>,
        %get3A_392 = arith.constant 2 : i32
        %get3A_393 = arith.index_cast %get3A_392 : i32 to index
        %get3A_394 = arith.index_cast %scan3A_281 : i32 to index
        %get3A_395 = arith.constant 112 : index
        %get3A_396 = tpu.vector_load %arg6[%get3A_393, %get3A_394, %get3A_395] {strides = array<i32>} : memref<4x128x128xf32, #tpu.memory_space<vmem>>, vector<1x1x16xf32>,
        %get3A_397 = vector.shape_cast %get3A_396 : vector<1x1x16xf32> to vector<16xf32>
        %mul3A_398 = arith.constant 11.3137083 : f32
        %mul3A_399 = vector.broadcast %mul3A_398 : f32 to vector<16xf32>
        %mul3A_400 = arith.mulf %get3A_397, %mul3A_399 : vector<16xf32>
        %swap3A_401 = arith.constant 2 : i32
        %swap3A_402 = arith.index_cast %swap3A_401 : i32 to index
        %swap3A_403 = arith.index_cast %scan3A_281 : i32 to index
        %swap3A_404 = arith.constant 112 : index
        %swap3A_405 = tpu.vector_load %arg6[%swap3A_402, %swap3A_403, %swap3A_404] {strides = array<i32>} : memref<4x128x128xf32, #tpu.memory_space<vmem>>, vector<1x1x16xf32>,
        %swap3A_406 = vector.shape_cast %swap3A_405 : vector<1x1x16xf32> to vector<16xf32>
        %swap3A_407 = vector.shape_cast %mul3A_400 : vector<16xf32> to vector<1x1x16xf32>
        tpu.vector_store %arg6[%swap3A_402, %swap3A_403, %swap3A_404], %swap3A_407 {strides = array<i32>} : memref<4x128x128xf32, #tpu.memory_space<vmem>>, vector<1x1x16xf32>,
      }
      %scan3A_203 = arith.constant 128 : i32
      %add3A_204 = arith.constant 2 : i32
      %add3A_205 = arith.addi %mul3A_54, %add3A_204 : i32
      %mul3A_206 = arith.constant 128 : i32
      %mul3A_207 = arith.muli %add3A_205, %mul3A_206 : i32
      %add3A_208 = arith.addi %mul3A_2, %mul3A_207 : i32
      %dma_start3A_209 = arith.constant 2 : i32
      %dma_start3A_210 = arith.constant 0 : i32
      %dma_start3A_211 = arith.constant 0 : i32
      %dma_start3A_212 = tpu.memref_slice %arg6[%dma_start3A_209, %dma_start3A_210, %dma_start3A_211] : memref<4x128x128xf32, #tpu.memory_space<vmem>> -> memref<1x128x128xf32, #tpu.memory_space<vmem>>
      %dma_start3A_213 = tpu.memref_squeeze %dma_start3A_212 : memref<1x128x128xf32, #tpu.memory_space<vmem>> -> memref<128x128xf32, #tpu.memory_space<vmem>>
      %dma_start3A_214 = arith.constant 0 : i32
      %dma_start3A_215 = tpu.memref_slice %arg4[%add3A_208, %dma_start3A_214] : memref<819200x128xf32, #tpu.memory_space<hbm>> -> memref<128x128xf32, #tpu.memory_space<hbm>>
      %dma_start3A_216 = arith.constant 0 : i32
      %dma_start3A_217 = tpu.memref_slice %arg4[%add3A_208, %dma_start3A_216] : memref<819200x128xf32, #tpu.memory_space<hbm>> -> memref<128x128xf32, #tpu.memory_space<hbm>>
      %dma_start3A_218 = arith.constant 0 : i32
      %dma_start3A_219 = arith.constant 0 : i32
      %dma_start3A_220 = tpu.memref_slice %arg6[%dma_start3A_209, %dma_start3A_218, %dma_start3A_219] : memref<4x128x128xf32, #tpu.memory_space<vmem>> -> memref<1x128x128xf32, #tpu.memory_space<vmem>>
      %dma_start3A_221 = tpu.memref_squeeze %dma_start3A_220 : memref<1x128x128xf32, #tpu.memory_space<vmem>> -> memref<128x128xf32, #tpu.memory_space<vmem>>
      tpu.enqueue_dma source(%dma_start3A_221 : memref<128x128xf32, #tpu.memory_space<vmem>>) target(%dma_start3A_217 : memref<128x128xf32, #tpu.memory_space<hbm>>) target_semaphore(%arg13 : memref<!tpu.dma_semaphore, #tpu.memory_space<semaphore_mem>>)
      %dma_wait3A_222 = arith.constant 1 : i32
      %dma_wait3A_223 = arith.constant 0 : i32
      %dma_wait3A_224 = arith.constant 0 : i32
      %dma_wait3A_225 = tpu.memref_slice %arg6[%dma_wait3A_222, %dma_wait3A_223, %dma_wait3A_224] : memref<4x128x128xf32, #tpu.memory_space<vmem>> -> memref<1x128x128xf32, #tpu.memory_space<vmem>>
      %dma_wait3A_226 = tpu.memref_squeeze %dma_wait3A_225 : memref<1x128x128xf32, #tpu.memory_space<vmem>> -> memref<128x128xf32, #tpu.memory_space<vmem>>
      %dma_wait3A_227 = arith.constant 0 : i32
      %dma_wait3A_228 = tpu.memref_slice %arg4[%mul3A_2, %dma_wait3A_227] : memref<819200x128xf32, #tpu.memory_space<hbm>> -> memref<128x128xf32, #tpu.memory_space<hbm>>
      %dma_wait3A_229 = arith.constant 0 : i32
      %dma_wait3A_230 = tpu.memref_slice %arg4[%mul3A_2, %dma_wait3A_229] : memref<819200x128xf32, #tpu.memory_space<hbm>> -> memref<128x128xf32, #tpu.memory_space<hbm>>
      %dma_wait3A_231 = arith.constant 0 : i32
      %dma_wait3A_232 = arith.constant 0 : i32
      %dma_wait3A_233 = tpu.memref_slice %arg6[%dma_wait3A_222, %dma_wait3A_231, %dma_wait3A_232] : memref<4x128x128xf32, #tpu.memory_space<vmem>> -> memref<1x128x128xf32, #tpu.memory_space<vmem>>
      %dma_wait3A_234 = tpu.memref_squeeze %dma_wait3A_233 : memref<1x128x128xf32, #tpu.memory_space<vmem>> -> memref<128x128xf32, #tpu.memory_space<vmem>>
      tpu.wait_dma2 semaphore(%arg12 : memref<!tpu.dma_semaphore, #tpu.memory_space<semaphore_mem>>) src(%dma_wait3A_234 : memref<128x128xf32, #tpu.memory_space<vmem>>) dst(%dma_wait3A_230 : memref<128x128xf32, #tpu.memory_space<hbm>>)
      %add3A_235 = arith.constant 1 : i32
      %add3A_236 = arith.addi %scan3A_52, %add3A_235 : i32
      %lt3A_237 = arith.constant 50 : i32
      %lt3A_238 = arith.cmpi slt, %add3A_236, %lt3A_237 : i32
      %convert_element_type3A_239 = arith.extui %lt3A_238 : i1 to i32
      %cond3A_240 = arith.constant 0 : i32
      %cond3A_241 = arith.cmpi ne, %convert_element_type3A_239, %cond3A_240 : i32
      scf.if %cond3A_241 {
        %add3A_281 = arith.constant 5 : i32
        %add3A_282 = arith.addi %mul3A_54, %add3A_281 : i32
        %mul3A_283 = arith.constant 128 : i32
        %mul3A_284 = arith.muli %add3A_282, %mul3A_283 : i32
        %dma_start3A_285 = arith.constant 1 : i32
        %dma_start3A_286 = arith.constant 0 : i32
        %dma_start3A_287 = arith.constant 0 : i32
        %dma_start3A_288 = tpu.memref_slice %arg6[%dma_start3A_285, %dma_start3A_286, %dma_start3A_287] : memref<4x128x128xf32, #tpu.memory_space<vmem>> -> memref<1x128x128xf32, #tpu.memory_space<vmem>>
        %dma_start3A_289 = tpu.memref_squeeze %dma_start3A_288 : memref<1x128x128xf32, #tpu.memory_space<vmem>> -> memref<128x128xf32, #tpu.memory_space<vmem>>
        %dma_start3A_290 = tpu.memref_slice %arg5[%mul3A_284] : memref<25600xi32, #tpu.memory_space<vmem>> -> memref<128xi32, #tpu.memory_space<vmem>>
        %dma_start3A_291 = arith.constant 0 : i32
        %dma_start3A_292 = arith.constant 0 : i32
        %dma_start3A_293 = tpu.memref_slice %arg2[%dma_start3A_291, %dma_start3A_292] : memref<100000x128xf32, #tpu.memory_space<hbm>> -> memref<100000x128xf32, #tpu.memory_space<hbm>>
        tpu.enqueue_indirect_dma source(%dma_start3A_293 : memref<100000x128xf32, #tpu.memory_space<hbm>>) target(%dma_start3A_289 : memref<128x128xf32, #tpu.memory_space<vmem>>) offsets(%dma_start3A_290 : memref<128xi32, #tpu.memory_space<vmem>>) semaphore(%arg8 : memref<!tpu.dma_semaphore, #tpu.memory_space<semaphore_mem>>)
      } else {
      }
      %dma_wait3A_242 = arith.constant 3 : i32
      %dma_wait3A_243 = arith.constant 0 : i32
      %dma_wait3A_244 = arith.constant 0 : i32
      %dma_wait3A_245 = tpu.memref_slice %arg6[%dma_wait3A_242, %dma_wait3A_243, %dma_wait3A_244] : memref<4x128x128xf32, #tpu.memory_space<vmem>> -> memref<1x128x128xf32, #tpu.memory_space<vmem>>
      %dma_wait3A_246 = tpu.memref_squeeze %dma_wait3A_245 : memref<1x128x128xf32, #tpu.memory_space<vmem>> -> memref<128x128xf32, #tpu.memory_space<vmem>>
      %dma_wait3A_247 = arith.constant 0 : i32
      %dma_wait3A_248 = arith.constant 0 : i32
      %dma_wait3A_249 = tpu.memref_slice %arg2[%dma_wait3A_247, %dma_wait3A_248] : memref<100000x128xf32, #tpu.memory_space<hbm>> -> memref<128x128xf32, #tpu.memory_space<hbm>>
      %dma_wait3A_250 = arith.constant 0 : i32
      %dma_wait3A_251 = arith.constant 0 : i32
      %dma_wait3A_252 = tpu.memref_slice %arg6[%dma_wait3A_242, %dma_wait3A_250, %dma_wait3A_251] : memref<4x128x128xf32, #tpu.memory_space<vmem>> -> memref<1x128x128xf32, #tpu.memory_space<vmem>>
      %dma_wait3A_253 = tpu.memref_squeeze %dma_wait3A_252 : memref<1x128x128xf32, #tpu.memory_space<vmem>> -> memref<128x128xf32, #tpu.memory_space<vmem>>
      %dma_wait3A_254 = arith.constant 0 : i32
      %dma_wait3A_255 = arith.constant 0 : i32
      %dma_wait3A_256 = tpu.memref_slice %arg2[%dma_wait3A_254, %dma_wait3A_255] : memref<100000x128xf32, #tpu.memory_space<hbm>> -> memref<128x128xf32, #tpu.memory_space<hbm>>
      tpu.wait_dma2 semaphore(%arg10 : memref<!tpu.dma_semaphore, #tpu.memory_space<semaphore_mem>>) src(%dma_wait3A_256 : memref<128x128xf32, #tpu.memory_space<hbm>>) dst(%dma_wait3A_253 : memref<128x128xf32, #tpu.memory_space<vmem>>)
      %scan3A_257 = arith.constant 0 : i32
      %scan3A_258 = arith.constant 0 : i32
      %scan3A_259 = arith.constant 128 : i32
      %scan3A_260 = arith.addi %scan3A_258, %scan3A_259 : i32
      %scan3A_261 = arith.constant 1 : i32
      scf.for %scan3A_281 = %scan3A_258 to %scan3A_260 step %scan3A_261  : i32 {
        %get3A = arith.constant 3 : i32
        %get3A_282 = arith.index_cast %get3A : i32 to index
        %get3A_283 = arith.index_cast %scan3A_281 : i32 to index
        %get3A_284 = arith.constant 0 : index
        %get3A_285 = tpu.vector_load %arg6[%get3A_282, %get3A_283, %get3A_284] {strides = array<i32>} : memref<4x128x128xf32, #tpu.memory_space<vmem>>, vector<1x1x16xf32>,
        %get3A_286 = vector.shape_cast %get3A_285 : vector<1x1x16xf32> to vector<16xf32>
        %mul3A_287 = arith.constant 11.3137083 : f32
        %mul3A_288 = vector.broadcast %mul3A_287 : f32 to vector<16xf32>
        %mul3A_289 = arith.mulf %get3A_286, %mul3A_288 : vector<16xf32>
        %swap3A = arith.constant 3 : i32
        %swap3A_290 = arith.index_cast %swap3A : i32 to index
        %swap3A_291 = arith.index_cast %scan3A_281 : i32 to index
        %swap3A_292 = arith.constant 0 : index
        %swap3A_293 = tpu.vector_load %arg6[%swap3A_290, %swap3A_291, %swap3A_292] {strides = array<i32>} : memref<4x128x128xf32, #tpu.memory_space<vmem>>, vector<1x1x16xf32>,
        %swap3A_294 = vector.shape_cast %swap3A_293 : vector<1x1x16xf32> to vector<16xf32>
        %swap3A_295 = vector.shape_cast %mul3A_289 : vector<16xf32> to vector<1x1x16xf32>
        tpu.vector_store %arg6[%swap3A_290, %swap3A_291, %swap3A_292], %swap3A_295 {strides = array<i32>} : memref<4x128x128xf32, #tpu.memory_space<vmem>>, vector<1x1x16xf32>,
        %get3A_296 = arith.constant 3 : i32
        %get3A_297 = arith.index_cast %get3A_296 : i32 to index
        %get3A_298 = arith.index_cast %scan3A_281 : i32 to index
        %get3A_299 = arith.constant 16 : index
        %get3A_300 = tpu.vector_load %arg6[%get3A_297, %get3A_298, %get3A_299] {strides = array<i32>} : memref<4x128x128xf32, #tpu.memory_space<vmem>>, vector<1x1x16xf32>,
        %get3A_301 = vector.shape_cast %get3A_300 : vector<1x1x16xf32> to vector<16xf32>
        %mul3A_302 = arith.constant 11.3137083 : f32
        %mul3A_303 = vector.broadcast %mul3A_302 : f32 to vector<16xf32>
        %mul3A_304 = arith.mulf %get3A_301, %mul3A_303 : vector<16xf32>
        %swap3A_305 = arith.constant 3 : i32
        %swap3A_306 = arith.index_cast %swap3A_305 : i32 to index
        %swap3A_307 = arith.index_cast %scan3A_281 : i32 to index
        %swap3A_308 = arith.constant 16 : index
        %swap3A_309 = tpu.vector_load %arg6[%swap3A_306, %swap3A_307, %swap3A_308] {strides = array<i32>} : memref<4x128x128xf32, #tpu.memory_space<vmem>>, vector<1x1x16xf32>,
        %swap3A_310 = vector.shape_cast %swap3A_309 : vector<1x1x16xf32> to vector<16xf32>
        %swap3A_311 = vector.shape_cast %mul3A_304 : vector<16xf32> to vector<1x1x16xf32>
        tpu.vector_store %arg6[%swap3A_306, %swap3A_307, %swap3A_308], %swap3A_311 {strides = array<i32>} : memref<4x128x128xf32, #tpu.memory_space<vmem>>, vector<1x1x16xf32>,
        %get3A_312 = arith.constant 3 : i32
        %get3A_313 = arith.index_cast %get3A_312 : i32 to index
        %get3A_314 = arith.index_cast %scan3A_281 : i32 to index
        %get3A_315 = arith.constant 32 : index
        %get3A_316 = tpu.vector_load %arg6[%get3A_313, %get3A_314, %get3A_315] {strides = array<i32>} : memref<4x128x128xf32, #tpu.memory_space<vmem>>, vector<1x1x16xf32>,
        %get3A_317 = vector.shape_cast %get3A_316 : vector<1x1x16xf32> to vector<16xf32>
        %mul3A_318 = arith.constant 11.3137083 : f32
        %mul3A_319 = vector.broadcast %mul3A_318 : f32 to vector<16xf32>
        %mul3A_320 = arith.mulf %get3A_317, %mul3A_319 : vector<16xf32>
        %swap3A_321 = arith.constant 3 : i32
        %swap3A_322 = arith.index_cast %swap3A_321 : i32 to index
        %swap3A_323 = arith.index_cast %scan3A_281 : i32 to index
        %swap3A_324 = arith.constant 32 : index
        %swap3A_325 = tpu.vector_load %arg6[%swap3A_322, %swap3A_323, %swap3A_324] {strides = array<i32>} : memref<4x128x128xf32, #tpu.memory_space<vmem>>, vector<1x1x16xf32>,
        %swap3A_326 = vector.shape_cast %swap3A_325 : vector<1x1x16xf32> to vector<16xf32>
        %swap3A_327 = vector.shape_cast %mul3A_320 : vector<16xf32> to vector<1x1x16xf32>
        tpu.vector_store %arg6[%swap3A_322, %swap3A_323, %swap3A_324], %swap3A_327 {strides = array<i32>} : memref<4x128x128xf32, #tpu.memory_space<vmem>>, vector<1x1x16xf32>,
        %get3A_328 = arith.constant 3 : i32
        %get3A_329 = arith.index_cast %get3A_328 : i32 to index
        %get3A_330 = arith.index_cast %scan3A_281 : i32 to index
        %get3A_331 = arith.constant 48 : index
        %get3A_332 = tpu.vector_load %arg6[%get3A_329, %get3A_330, %get3A_331] {strides = array<i32>} : memref<4x128x128xf32, #tpu.memory_space<vmem>>, vector<1x1x16xf32>,
        %get3A_333 = vector.shape_cast %get3A_332 : vector<1x1x16xf32> to vector<16xf32>
        %mul3A_334 = arith.constant 11.3137083 : f32
        %mul3A_335 = vector.broadcast %mul3A_334 : f32 to vector<16xf32>
        %mul3A_336 = arith.mulf %get3A_333, %mul3A_335 : vector<16xf32>
        %swap3A_337 = arith.constant 3 : i32
        %swap3A_338 = arith.index_cast %swap3A_337 : i32 to index
        %swap3A_339 = arith.index_cast %scan3A_281 : i32 to index
        %swap3A_340 = arith.constant 48 : index
        %swap3A_341 = tpu.vector_load %arg6[%swap3A_338, %swap3A_339, %swap3A_340] {strides = array<i32>} : memref<4x128x128xf32, #tpu.memory_space<vmem>>, vector<1x1x16xf32>,
        %swap3A_342 = vector.shape_cast %swap3A_341 : vector<1x1x16xf32> to vector<16xf32>
        %swap3A_343 = vector.shape_cast %mul3A_336 : vector<16xf32> to vector<1x1x16xf32>
        tpu.vector_store %arg6[%swap3A_338, %swap3A_339, %swap3A_340], %swap3A_343 {strides = array<i32>} : memref<4x128x128xf32, #tpu.memory_space<vmem>>, vector<1x1x16xf32>,
        %get3A_344 = arith.constant 3 : i32
        %get3A_345 = arith.index_cast %get3A_344 : i32 to index
        %get3A_346 = arith.index_cast %scan3A_281 : i32 to index
        %get3A_347 = arith.constant 64 : index
        %get3A_348 = tpu.vector_load %arg6[%get3A_345, %get3A_346, %get3A_347] {strides = array<i32>} : memref<4x128x128xf32, #tpu.memory_space<vmem>>, vector<1x1x16xf32>,
        %get3A_349 = vector.shape_cast %get3A_348 : vector<1x1x16xf32> to vector<16xf32>
        %mul3A_350 = arith.constant 11.3137083 : f32
        %mul3A_351 = vector.broadcast %mul3A_350 : f32 to vector<16xf32>
        %mul3A_352 = arith.mulf %get3A_349, %mul3A_351 : vector<16xf32>
        %swap3A_353 = arith.constant 3 : i32
        %swap3A_354 = arith.index_cast %swap3A_353 : i32 to index
        %swap3A_355 = arith.index_cast %scan3A_281 : i32 to index
        %swap3A_356 = arith.constant 64 : index
        %swap3A_357 = tpu.vector_load %arg6[%swap3A_354, %swap3A_355, %swap3A_356] {strides = array<i32>} : memref<4x128x128xf32, #tpu.memory_space<vmem>>, vector<1x1x16xf32>,
        %swap3A_358 = vector.shape_cast %swap3A_357 : vector<1x1x16xf32> to vector<16xf32>
        %swap3A_359 = vector.shape_cast %mul3A_352 : vector<16xf32> to vector<1x1x16xf32>
        tpu.vector_store %arg6[%swap3A_354, %swap3A_355, %swap3A_356], %swap3A_359 {strides = array<i32>} : memref<4x128x128xf32, #tpu.memory_space<vmem>>, vector<1x1x16xf32>,
        %get3A_360 = arith.constant 3 : i32
        %get3A_361 = arith.index_cast %get3A_360 : i32 to index
        %get3A_362 = arith.index_cast %scan3A_281 : i32 to index
        %get3A_363 = arith.constant 80 : index
        %get3A_364 = tpu.vector_load %arg6[%get3A_361, %get3A_362, %get3A_363] {strides = array<i32>} : memref<4x128x128xf32, #tpu.memory_space<vmem>>, vector<1x1x16xf32>,
        %get3A_365 = vector.shape_cast %get3A_364 : vector<1x1x16xf32> to vector<16xf32>
        %mul3A_366 = arith.constant 11.3137083 : f32
        %mul3A_367 = vector.broadcast %mul3A_366 : f32 to vector<16xf32>
        %mul3A_368 = arith.mulf %get3A_365, %mul3A_367 : vector<16xf32>
        %swap3A_369 = arith.constant 3 : i32
        %swap3A_370 = arith.index_cast %swap3A_369 : i32 to index
        %swap3A_371 = arith.index_cast %scan3A_281 : i32 to index
        %swap3A_372 = arith.constant 80 : index
        %swap3A_373 = tpu.vector_load %arg6[%swap3A_370, %swap3A_371, %swap3A_372] {strides = array<i32>} : memref<4x128x128xf32, #tpu.memory_space<vmem>>, vector<1x1x16xf32>,
        %swap3A_374 = vector.shape_cast %swap3A_373 : vector<1x1x16xf32> to vector<16xf32>
        %swap3A_375 = vector.shape_cast %mul3A_368 : vector<16xf32> to vector<1x1x16xf32>
        tpu.vector_store %arg6[%swap3A_370, %swap3A_371, %swap3A_372], %swap3A_375 {strides = array<i32>} : memref<4x128x128xf32, #tpu.memory_space<vmem>>, vector<1x1x16xf32>,
        %get3A_376 = arith.constant 3 : i32
        %get3A_377 = arith.index_cast %get3A_376 : i32 to index
        %get3A_378 = arith.index_cast %scan3A_281 : i32 to index
        %get3A_379 = arith.constant 96 : index
        %get3A_380 = tpu.vector_load %arg6[%get3A_377, %get3A_378, %get3A_379] {strides = array<i32>} : memref<4x128x128xf32, #tpu.memory_space<vmem>>, vector<1x1x16xf32>,
        %get3A_381 = vector.shape_cast %get3A_380 : vector<1x1x16xf32> to vector<16xf32>
        %mul3A_382 = arith.constant 11.3137083 : f32
        %mul3A_383 = vector.broadcast %mul3A_382 : f32 to vector<16xf32>
        %mul3A_384 = arith.mulf %get3A_381, %mul3A_383 : vector<16xf32>
        %swap3A_385 = arith.constant 3 : i32
        %swap3A_386 = arith.index_cast %swap3A_385 : i32 to index
        %swap3A_387 = arith.index_cast %scan3A_281 : i32 to index
        %swap3A_388 = arith.constant 96 : index
        %swap3A_389 = tpu.vector_load %arg6[%swap3A_386, %swap3A_387, %swap3A_388] {strides = array<i32>} : memref<4x128x128xf32, #tpu.memory_space<vmem>>, vector<1x1x16xf32>,
        %swap3A_390 = vector.shape_cast %swap3A_389 : vector<1x1x16xf32> to vector<16xf32>
        %swap3A_391 = vector.shape_cast %mul3A_384 : vector<16xf32> to vector<1x1x16xf32>
        tpu.vector_store %arg6[%swap3A_386, %swap3A_387, %swap3A_388], %swap3A_391 {strides = array<i32>} : memref<4x128x128xf32, #tpu.memory_space<vmem>>, vector<1x1x16xf32>,
        %get3A_392 = arith.constant 3 : i32
        %get3A_393 = arith.index_cast %get3A_392 : i32 to index
        %get3A_394 = arith.index_cast %scan3A_281 : i32 to index
        %get3A_395 = arith.constant 112 : index
        %get3A_396 = tpu.vector_load %arg6[%get3A_393, %get3A_394, %get3A_395] {strides = array<i32>} : memref<4x128x128xf32, #tpu.memory_space<vmem>>, vector<1x1x16xf32>,
        %get3A_397 = vector.shape_cast %get3A_396 : vector<1x1x16xf32> to vector<16xf32>
        %mul3A_398 = arith.constant 11.3137083 : f32
        %mul3A_399 = vector.broadcast %mul3A_398 : f32 to vector<16xf32>
        %mul3A_400 = arith.mulf %get3A_397, %mul3A_399 : vector<16xf32>
        %swap3A_401 = arith.constant 3 : i32
        %swap3A_402 = arith.index_cast %swap3A_401 : i32 to index
        %swap3A_403 = arith.index_cast %scan3A_281 : i32 to index
        %swap3A_404 = arith.constant 112 : index
        %swap3A_405 = tpu.vector_load %arg6[%swap3A_402, %swap3A_403, %swap3A_404] {strides = array<i32>} : memref<4x128x128xf32, #tpu.memory_space<vmem>>, vector<1x1x16xf32>,
        %swap3A_406 = vector.shape_cast %swap3A_405 : vector<1x1x16xf32> to vector<16xf32>
        %swap3A_407 = vector.shape_cast %mul3A_400 : vector<16xf32> to vector<1x1x16xf32>
        tpu.vector_store %arg6[%swap3A_402, %swap3A_403, %swap3A_404], %swap3A_407 {strides = array<i32>} : memref<4x128x128xf32, #tpu.memory_space<vmem>>, vector<1x1x16xf32>,
      }
      %scan3A_262 = arith.constant 128 : i32
      %add3A_263 = arith.constant 3 : i32
      %add3A_264 = arith.addi %mul3A_54, %add3A_263 : i32
      %mul3A_265 = arith.constant 128 : i32
      %mul3A_266 = arith.muli %add3A_264, %mul3A_265 : i32
      %add3A_267 = arith.addi %mul3A_2, %mul3A_266 : i32
      %dma_start3A_268 = arith.constant 3 : i32
      %dma_start3A_269 = arith.constant 0 : i32
      %dma_start3A_270 = arith.constant 0 : i32
      %dma_start3A_271 = tpu.memref_slice %arg6[%dma_start3A_268, %dma_start3A_269, %dma_start3A_270] : memref<4x128x128xf32, #tpu.memory_space<vmem>> -> memref<1x128x128xf32, #tpu.memory_space<vmem>>
      %dma_start3A_272 = tpu.memref_squeeze %dma_start3A_271 : memref<1x128x128xf32, #tpu.memory_space<vmem>> -> memref<128x128xf32, #tpu.memory_space<vmem>>
      %dma_start3A_273 = arith.constant 0 : i32
      %dma_start3A_274 = tpu.memref_slice %arg4[%add3A_267, %dma_start3A_273] : memref<819200x128xf32, #tpu.memory_space<hbm>> -> memref<128x128xf32, #tpu.memory_space<hbm>>
      %dma_start3A_275 = arith.constant 0 : i32
      %dma_start3A_276 = tpu.memref_slice %arg4[%add3A_267, %dma_start3A_275] : memref<819200x128xf32, #tpu.memory_space<hbm>> -> memref<128x128xf32, #tpu.memory_space<hbm>>
      %dma_start3A_277 = arith.constant 0 : i32
      %dma_start3A_278 = arith.constant 0 : i32
      %dma_start3A_279 = tpu.memref_slice %arg6[%dma_start3A_268, %dma_start3A_277, %dma_start3A_278] : memref<4x128x128xf32, #tpu.memory_space<vmem>> -> memref<1x128x128xf32, #tpu.memory_space<vmem>>
      %dma_start3A_280 = tpu.memref_squeeze %dma_start3A_279 : memref<1x128x128xf32, #tpu.memory_space<vmem>> -> memref<128x128xf32, #tpu.memory_space<vmem>>
      tpu.enqueue_dma source(%dma_start3A_280 : memref<128x128xf32, #tpu.memory_space<vmem>>) target(%dma_start3A_276 : memref<128x128xf32, #tpu.memory_space<hbm>>) target_semaphore(%arg14 : memref<!tpu.dma_semaphore, #tpu.memory_space<semaphore_mem>>)
    }
    %scan3A_26 = arith.constant 50 : i32
    %dma_wait3A = arith.constant 2 : i32
    %dma_wait3A_27 = arith.constant 0 : i32
    %dma_wait3A_28 = arith.constant 0 : i32
    %dma_wait3A_29 = tpu.memref_slice %arg6[%dma_wait3A, %dma_wait3A_27, %dma_wait3A_28] : memref<4x128x128xf32, #tpu.memory_space<vmem>> -> memref<1x128x128xf32, #tpu.memory_space<vmem>>
    %dma_wait3A_30 = tpu.memref_squeeze %dma_wait3A_29 : memref<1x128x128xf32, #tpu.memory_space<vmem>> -> memref<128x128xf32, #tpu.memory_space<vmem>>
    %dma_wait3A_31 = arith.constant 0 : i32
    %dma_wait3A_32 = tpu.memref_slice %arg4[%mul3A_2, %dma_wait3A_31] : memref<819200x128xf32, #tpu.memory_space<hbm>> -> memref<128x128xf32, #tpu.memory_space<hbm>>
    %dma_wait3A_33 = arith.constant 0 : i32
    %dma_wait3A_34 = tpu.memref_slice %arg4[%mul3A_2, %dma_wait3A_33] : memref<819200x128xf32, #tpu.memory_space<hbm>> -> memref<128x128xf32, #tpu.memory_space<hbm>>
    %dma_wait3A_35 = arith.constant 0 : i32
    %dma_wait3A_36 = arith.constant 0 : i32
    %dma_wait3A_37 = tpu.memref_slice %arg6[%dma_wait3A, %dma_wait3A_35, %dma_wait3A_36] : memref<4x128x128xf32, #tpu.memory_space<vmem>> -> memref<1x128x128xf32, #tpu.memory_space<vmem>>
    %dma_wait3A_38 = tpu.memref_squeeze %dma_wait3A_37 : memref<1x128x128xf32, #tpu.memory_space<vmem>> -> memref<128x128xf32, #tpu.memory_space<vmem>>
    tpu.wait_dma2 semaphore(%arg13 : memref<!tpu.dma_semaphore, #tpu.memory_space<semaphore_mem>>) src(%dma_wait3A_38 : memref<128x128xf32, #tpu.memory_space<vmem>>) dst(%dma_wait3A_34 : memref<128x128xf32, #tpu.memory_space<hbm>>)
    %dma_wait3A_39 = arith.constant 3 : i32
    %dma_wait3A_40 = arith.constant 0 : i32
    %dma_wait3A_41 = arith.constant 0 : i32
    %dma_wait3A_42 = tpu.memref_slice %arg6[%dma_wait3A_39, %dma_wait3A_40, %dma_wait3A_41] : memref<4x128x128xf32, #tpu.memory_space<vmem>> -> memref<1x128x128xf32, #tpu.memory_space<vmem>>
    %dma_wait3A_43 = tpu.memref_squeeze %dma_wait3A_42 : memref<1x128x128xf32, #tpu.memory_space<vmem>> -> memref<128x128xf32, #tpu.memory_space<vmem>>
    %dma_wait3A_44 = arith.constant 0 : i32
    %dma_wait3A_45 = tpu.memref_slice %arg4[%mul3A_2, %dma_wait3A_44] : memref<819200x128xf32, #tpu.memory_space<hbm>> -> memref<128x128xf32, #tpu.memory_space<hbm>>
    %dma_wait3A_46 = arith.constant 0 : i32
    %dma_wait3A_47 = tpu.memref_slice %arg4[%mul3A_2, %dma_wait3A_46] : memref<819200x128xf32, #tpu.memory_space<hbm>> -> memref<128x128xf32, #tpu.memory_space<hbm>>
    %dma_wait3A_48 = arith.constant 0 : i32
    %dma_wait3A_49 = arith.constant 0 : i32
    %dma_wait3A_50 = tpu.memref_slice %arg6[%dma_wait3A_39, %dma_wait3A_48, %dma_wait3A_49] : memref<4x128x128xf32, #tpu.memory_space<vmem>> -> memref<1x128x128xf32, #tpu.memory_space<vmem>>
    %dma_wait3A_51 = tpu.memref_squeeze %dma_wait3A_50 : memref<1x128x128xf32, #tpu.memory_space<vmem>> -> memref<128x128xf32, #tpu.memory_space<vmem>>
    tpu.wait_dma2 semaphore(%arg14 : memref<!tpu.dma_semaphore, #tpu.memory_space<semaphore_mem>>) src(%dma_wait3A_51 : memref<128x128xf32, #tpu.memory_space<vmem>>) dst(%dma_wait3A_47 : memref<128x128xf32, #tpu.memory_space<hbm>>)
    return
  }
}

</mosaic_0001>

<sc_bundles>
// kernel: kernel.3.cloned.1.call-start
scs
__scs_entry_jumppad:
0x0: {  	(pc) =	sbr.rel $0x88, $3  }
0x1: {  	(tag) =	ssettag $0x0;
	lr =	simm.s32 $0x1  }
0x2: {  	[smem:$0x3F9F] =	sst lr;
	_ =	strace $0xD0000000  }
0x3: {  	_ = 	snop  }
0x4: {  	_ = 	snop  }
0x5: {  	_ = 	snop  }
0x6: {  	_ = 	snop  }
0x7: {  	_ = 	snop  }
__scs_overlays_trampoline_lowered:
0x8: {  	[smem:$0x3FAE] =	sst s0  }
0x9: {  	[smem:$0x3FAF] =	sst s1  }
0xa: {  	[smem:$0x3FB0] =	sst s2  }
0xb: {  	[smem:$0x3FB1] =	sst s3  }
0xc: {  	[smem:$0x3FB2] =	sst s4  }
0xd: {  	[smem:$0x3FB3] =	sst s5  }
0xe: {  	[smem:$0x3FB4] =	sst s6  }
0xf: {  	[smem:$0x3FB5] =	sst s7  }
0x10: {  	[smem:$0x3FB6] =	sst s8  }
0x11: {  	[smem:$0x3FB7] =	sst s9;
	s0 =	simm.s32 @!p0 $0x0  }
0x12: {  	s1 =	sld [smem:$0x3F9D];
	s0 =	simm.s32 @p0 $0x1  }
0x13: {  	[smem:$0x3FB8] =	sst s0;
	s0 =	simm.s32 @!p1 $0x0  }
0x14: {  	s2 =	sld [smem:$0x3F9C];
	s0 =	simm.s32 @p1 $0x1  }
0x15: {  	[smem:$0x3FB9] =	sst s0;
	s0 =	simm.s32 @!p2 $0x0  }
0x16: {  	s3 =	sld [smem:$0x3FDB];
	s0 =	simm.s32 @p2 $0x1  }
0x17: {  	s4 =	simm.s32 $0x1BF5;
	[smem:$0x3FBB] =	sst s0  }
0x18: {  	s0 =	sld [smem:$0x3F9E];
	_ =	swait.ge [sflag:s4], $0x0  }
0x19: {  	s7 =	sld [smem:$0x3F9F]  }
0x1a: {  	s8 =	sadd.s32 $0xFFFFE003, lr  }
0x1b: {  	s9 =	sadd.s32 $0xFFFFFEF7, lr;
	s5 =	simm.s32 $0xFFFFFFFF;
	p2 =	slt.u32 s8, $0xFFFFF086  }
0x1c: {  	p1 =	slt.u32 s9, $0xF7A;
	s5 =	simm.s32 @!p2 $0x0  }
0x1d: {  	s5 =	simm.s32 @p1 $0x1;
	p0 =	seq.s32 s7, s2  }
0x1e: {  	s7 =	smul.u32 @!p0 $0xF7A, s2;
	p2 =	seq.s32 @!p0 s5, $0x0  }
0x1f: {  	s9 =	smul.u32 $0xF7A, s1;
	s8 =	simm.s32 @!p0 $0x1BF5;
	p2 =	por !p2, p0  }
0x20: {  	[sflag:s8] =	ssyncset.s32 @!p0 $0xFFFFF086;
	s6 =	sadd.s32 @!p0 s3, s7;
	s7 =	simm.s32 @!p0 $0x108  }
0x21: {  	s3 =	sadd.s32 s3, s9;
	s6 =	sadd.s32 @!p0 $0x88, s6;
	s7 =	simm.s32 @p2 $0x1082  }
0x22: {  	[simem:s7], [sflag:s8] =	dma.local @!p0 [hbm:s6], $0xF7A  }
0x23: {  	s9 =	sor.u32 $0xD0000000, s2;
	s6 =	simm.s32 $0x108;
	_ =	swait.ge @!p0 [sflag:s8], $0x0  }
0x24: {  	s3 =	sadd.s32 $0x88, s3;
	s6 =	simm.s32 @!p1 $0x1082;
	[sflag:s4] =	ssyncset.s32 $0xFFFFF086  }
0x25: {  	[simem:s6], [sflag:s4] =	dma.local [hbm:s3], $0xF7A  }
0x26: {  	[smem:$0x3F9F] =	sst s1;
	(tag) =	ssettag s2;
	_ =	strace s9  }
0x27: {  	s1 =	sld [smem:$0x3FAF]  }
0x28: {  	s2 =	sld [smem:$0x3FB0]  }
0x29: {  	s4 =	sld [smem:$0x3FB2]  }
0x2a: {  	p0 =	seq.s32 s5, $0x0;
	s5 =	sld [smem:$0x3FB3]  }
0x2b: {  	s6 =	sld [smem:$0x3FB4]  }
0x2c: {  	s7 =	sld [smem:$0x3FB5]  }
0x2d: {  	s3 =	simm.s32 $0x108;
	s8 =	sld [smem:$0x3FB6]  }
0x2e: {  	s3 =	simm.s32 @!p0 $0x1082;
	s9 =	sld [smem:$0x3FB7]  }
0x2f: {  	lr =	sadd.s32 s0, s3;
	s0 =	sld [smem:$0x3FAE]  }
0x30: {  	s3 =	sld [smem:$0x3FB1]  }
0x31: {  	[smem:$0x3FBA] =	sst s10  }
0x32: {  	s10 =	sld [smem:$0x3FB8];
	_ =	sdelay $0x3  }
0x33: {  	p0 =	seq.s32 s10, $0x1;
	s10 =	sld [smem:$0x3FBA];
	_ =	sdelay $0x3  }
0x34: {  	[smem:$0x3FBA] =	sst s10  }
0x35: {  	s10 =	sld [smem:$0x3FB9];
	_ =	sdelay $0x3  }
0x36: {  	p1 =	seq.s32 s10, $0x1;
	s10 =	sld [smem:$0x3FBA];
	_ =	sdelay $0x3  }
0x37: {  	[smem:$0x3FBA] =	sst s10  }
0x38: {  	s10 =	sld [smem:$0x3FBB]  }
0x39: {  	_ = 	snop;
	(pc) =	sbr.ind lr, $3  }
0x3a: {  	_ = 	snop  }
0x3b: {  	_ = 	snop  }
0x3c: {  	p2 =	seq.s32 s10, $0x1;
	s10 =	sld [smem:$0x3FBA]  }
0x3d: {  	_ =	shalt  }
0x3e: {  	_ =	shalt  }
0x3f: {  	_ =	shalt  }
0x40: {  	_ =	shalt  }
0x41: {  	_ =	shalt  }
0x42: {  	_ =	shalt  }
0x43: {  	_ =	shalt  }
0x44: {  	_ =	shalt  }
0x45: {  	_ =	shalt  }
0x46: {  	_ =	shalt  }
0x47: {  	_ =	shalt  }
0x48: {  	_ =	shalt  }
0x49: {  	_ =	shalt  }
0x4a: {  	_ =	shalt  }
0x4b: {  	_ =	shalt  }
0x4c: {  	_ =	shalt  }
0x4d: {  	_ =	shalt  }
0x4e: {  	_ =	shalt  }
0x4f: {  	_ =	shalt  }
0x50: {  	_ =	shalt  }
0x51: {  	_ =	shalt  }
0x52: {  	_ =	shalt  }
0x53: {  	_ =	shalt  }
0x54: {  	_ =	shalt  }
0x55: {  	_ =	shalt  }
0x56: {  	_ =	shalt  }
0x57: {  	_ =	shalt  }
0x58: {  	_ =	shalt  }
0x59: {  	_ =	shalt  }
0x5a: {  	_ =	shalt  }
0x5b: {  	_ =	shalt  }
0x5c: {  	_ =	shalt  }
0x5d: {  	_ =	shalt  }
0x5e: {  	_ =	shalt  }
0x5f: {  	_ =	shalt  }
0x60: {  	_ =	shalt  }
0x61: {  	_ =	shalt  }
0x62: {  	_ =	shalt  }
0x63: {  	_ =	shalt  }
0x64: {  	_ =	shalt  }
0x65: {  	_ =	shalt  }
0x66: {  	_ =	shalt  }
0x67: {  	_ =	shalt  }
0x68: {  	_ =	shalt  }
0x69: {  	_ =	shalt  }
0x6a: {  	_ =	shalt  }
0x6b: {  	_ =	shalt  }
0x6c: {  	_ =	shalt  }
0x6d: {  	_ =	shalt  }
0x6e: {  	_ =	shalt  }
0x6f: {  	_ =	shalt  }
0x70: {  	_ =	shalt  }
0x71: {  	_ =	shalt  }
0x72: {  	_ =	shalt  }
0x73: {  	_ =	shalt  }
0x74: {  	_ =	shalt  }
0x75: {  	_ =	shalt  }
0x76: {  	_ =	shalt  }
0x77: {  	_ =	shalt  }
0x78: {  	_ =	shalt  }
0x79: {  	_ =	shalt  }
0x7a: {  	_ =	shalt  }
0x7b: {  	_ =	shalt  }
0x7c: {  	_ =	shalt  }
0x7d: {  	_ =	shalt  }
0x7e: {  	_ =	shalt  }
0x7f: {  	_ =	shalt  }
0x80: {  	_ =	shalt  }
0x81: {  	_ =	shalt  }
0x82: {  	_ =	shalt  }
0x83: {  	_ =	shalt  }
0x84: {  	_ =	shalt  }
0x85: {  	_ =	shalt  }
0x86: {  	_ =	shalt  }
0x87: {  	_ =	shalt  }
.Lfunc_end0:
.L_simem_size_0:
called_computation_lowered:
.L_overlay_start_0:
0x88: {  	s2 =	sld [smem:$0x3FD9]  }
0x89: {  	s3 =	sld [smem:$0x3FFE];
	_ =	sdelay $0x1  }
0x8a: {  	s1 =	srdreg.scid  }
0x8b: {  	s0 =	sand.u32 $0x1, s1  }
0x8c: {  	s17 =	sshll.u32 s0, $0xA;
	s2 =	sadd.s32 s3, s2  }
0x8d: {  	s2 =	sadd.s32 s2, s17  }
0x8e: {  	[smem:$0x3FC6] =	sst s2  }
0x8f: {  	_ = 	snop  }
0x90: {  	s2 =	sld [smem:$0x3FC8]  }
0x91: {  	s18 =	sld [smem:$0x3FD0];
	(tm) =	ssettm $0x1  }
0x92: {  	s4 =	sld [smem:$0x3FFB];
	_ =	sdelay $0x3  }
0x93: {  	_ =	strace s4  }
0x94: {  	s4 =	sld [smem:$0x3FFC];
	_ =	sdelay $0x3  }
0x95: {  	_ =	strace s4  }
0x96: {  	s4 =	sld [smem:$0x3FFD];
	_ =	sdelay $0x3  }
0x97: {  	_ =	strace s4  }
0x98: {  	_ =	strace $0x8FFFFFFF  }
0x99: {  	s19 =	sld [smem:$0x3FDB];
	_ =	sdelay $0x1  }
0x9a: {  	s5 =	simm.s32 $_scs_section_size  }
0x9b: {  	s6 =	simm.s32 $_size__tile_overlayer_lowered;
	s7 =	simm.s32 $_tile_overlayer_lowered  }
0x9c: {  	s22 =	simm.s32 $0x1BFF;
	s21 =	sshll.u32 s7, $0x1;
	s4 =	sadd.s32 s5, s19  }
0x9d: {  	s8 =	simm.s32 $0x0;
	s20 =	sshll.u32 s6, $0x1;
	s6 =	sadd.s32 s21, s4  }
0x9e: {  	[timem:s8], [sflag:s22] =	dma.local [hbm:s6], s20  }
0x9f: {  	_ =	swait.ge [sflag:s22], s20  }
0xa0: {  	s5 =	ssub.s32 $0x0, s20;
	[sflag:s22] =	ssyncset.done $0x0  }
0xa1: {  	[sflag:s22] =	ssyncadd.s32 s5;
	_ =	sdelay $0x1  }
0xa2: {  	s23 =	simm.s32 $0x1B8B  }
0xa3: {  	_ =	swait.ge [sflag:s23], $0x1  }
0xa4: {  	[sflag:s23] =	ssyncset.done $0x0  }
0xa5: {  	s25 =	simm.s32 $0x1B8E;
	s24 =	sld [smem:$0x3FFE];
	[sflag:s23] =	ssyncadd.s32 $0xFFFFFFFF  }
0xa6: {  	s26 =	simm.s32 $execute0_lowered;
	[smem:$0x3FD2] =	sst s25  }
0xa7: {  	s6 =	sshll.u32 s26, $0x1;
	_ =	strace $0x80000046;
	[dreg:$0x1] =	wrdreg $0xFFFFFFFF  }
0xa8: {  	s28 =	simm.s32 $_size_execute0_lowered;
	s4 =	sadd.s32 s4, s6;
	[dreg:$0x0] =	wrdreg $0x0  }
0xa9: {  	s6 =	sshll.u32 s28, $0x1;
	[dreg:$0x2] =	wrdreg s4  }
0xaa: {  	[dreg:$0x3] =	wrdreg s6  }
0xab: {  	[dreg:$0x4] =	wrdreg $0xC0  }
0xac: {  	_ =	task [dreg:s8], $0x5FFFF  }
0xad: {  	[dreg:$0x1] =	wrdreg $0xFFFFFFFF  }
0xae: {  	[dreg:$0x0] =	wrdreg $0x60  }
0xaf: {  	[dreg:$0x2] =	wrdreg s2  }
0xb0: {  	[dreg:$0x3] =	wrdreg s24  }
0xb1: {  	[dreg:$0x4] =	wrdreg s18  }
0xb2: {  	[dreg:$0x5] =	wrdreg $0x9  }
0xb3: {  	_ =	task.clear_ibuf [dreg:s8], $0x6FFFF;
	_ =	strace $0x90000046  }
0xb4: {  	s29 =	simm.s32 $0x9;
	_ =	strace $0x80000048  }
0xb5: {  	_ =	swait.ge [sflag:s29], $0x1  }
0xb6: {  	[sflag:s29] =	ssyncadd.s32 $0xFFFFFFFF  }
0xb7: {  	_ =	strace $0x90000048  }
0xb8: {  	_ =	sfence  }
0xb9: {  	s30 =	sld [smem:$0x0];
	_ =	sdelay $0x2  }
0xba: {  	s31 =	sshll.u32 s1, $0xD;
	s1 =	sshrl.u32 s1, $0x2  }
0xbb: {  	s3 =	sand.u32 $0x4000, s31;
	s1 =	sadd.s32 s1, s30  }
0xbc: {  	s0 =	sor.u32 s3, s0;
	s1 =	sshll.u32 s1, $0x11  }
0xbd: {  	s0 =	sor.u32 s1, s0  }
0xbe: {  	s0 =	sadd.s32 $0x8F2B, s0  }
0xbf: {  	[sflag:s0] =	ssyncadd.remote.s32 $0x1  }
0xc0: {  	_ =	sfence.sel $0xFFFF  }
0xc1: {  	[dreg:$0x0] =	wrdreg $0xFFFFFFFF;
	(pc) =	sbr.abs _section_cstart, $3  }
0xc2: {  	[dreg:$0x1] =	wrdreg $0xFFFFFFFF  }
0xc3: {  	_ =	task.clear_ibuf [dreg:s8], $0x2FFFF;
	_ =	strace $0x9FFFFFFF  }
0xc4: {  	(tm) =	ssettm $0x7FFFFFFF  }
0xc5: {  	_ =	shalt  }
tec
execute0_lowered:
.L_overlay_start_1:
0x0: {  	(tag) =	ssettag $0x1  }
0x1: {  	s1 =	rddreg [dreg:$0x0]  }
0x2: {  	s2 =	srdreg.scid;
	s7 =	rddreg [dreg:$0x1]  }
0x3: {  	s0 =	stileid.u32;
	s3 =	rddreg [dreg:$0x2];
	s5 =	simm.s32 $0x0  }
0x4: {  	s10 =	simm.s32 $0x9;
	s11 =	simm.s32 $0x80;
	s12 =	simm.s32 $0x6400  }
0x5: {  	s13 =	simm.s32 $0xA400;
	s14 =	simm.s32 $0xE400;
	s15 =	simm.s32 $0x1  }
0x6: {  	s16 =	simm.s32 $0x12400;
	s6 =	sand.u32 $0x1, s2;
	s30 =	sshll.u32 s0, $0x1  }
0x7: {  	s17 =	simm.s32 $0x2;
	s18 =	simm.s32 $0x5;
	s8 =	sor.u32 s6, s30  }
0x8: {  	s19 =	simm.s32 $0x3;
	s20 =	simm.s32 $0x6;
	s4 =	smul.u32 $0x6400, s8  }
0x9: {  	s21 =	simm.s32 $0x4;
	s22 =	simm.s32 $0x7;
	s23 =	simm.s32 $0x8  }
0xa: {  	s24 =	simm.s32 $0x0;
	s6 =	ssub.s32 $0x2, s6;
	s9 =	sshrl.u32 s4, $0x3  }
0xb: {  	[smem:$0x7FF] =	sst s5;
	s31 =	sshrl.u32 s6, $0x1;
	s7 =	sadd.s32 s9, s7  }
0xc: {  	_ =	strace $0x80000047;
	s9 =	ssub.s32 s6, s31;
	s6 =	sadd.s32 $0x400, s7  }
0xd: {  	s7 =	smul.u32 $0x320000, s8;
	s8 =	sor.u32 $0x80, s4;
	s9 =	smax.u32 s9, $0x1  }
.LBB2_1:
0xe: {  	[tilespmem:s5], [sflag:$0x9] =	stream.linear.gather [hbm4b:s6+s5], $0x6400, $0x38;
	[tilespmem:$0x16400] =	vst v63  }
0xf: {  	_ =	swait.ge [sflag:s10], $0x6400  }
0x10: {  	[sflag:s10] =	ssyncset.done $0x0  }
0x11: {  	[sflag:s10] =	ssyncadd.s32 $0xFFFF9C00  }
0x12: {  	[tilespmem:s12], [sflag:$0x1] =	stream.indirect.gather [hbm4b:s1+s11], $0x80, s5, s11, $0xb8;
	[tilespmem:$0x16400] =	vst v63  }
0x13: {  	s28 =	simm.s32 $0x0  }
0x14: {  	[tilespmem:s13], [sflag:$0x2] =	stream.indirect.gather [hbm4b:s1+s11], $0x80, s11, s11, $0xb8;
	[tilespmem:$0x16400] =	vst v63  }
.LBB2_2:
0x15: {  	p0 =	seq.s32 s28, $0x0  }
0x16: {  	s25 =	simm.s32 @!p0 $0x7  }
0x17: {  	_ =	swait.ge @!p0 [sflag:s25], $0x4000  }
0x18: {  	s29 =	sshll.u32 s28, $0x9;
	[sflag:s25] =	ssyncset.done @!p0 $0x0  }
0x19: {  	[sflag:s25] =	ssyncadd.s32 @!p0 $0xFFFFC000;
	s25 =	sor.u32 $0x100, s29  }
0x1a: {  	[tilespmem:s14], [sflag:$0x3] =	stream.indirect.gather [hbm4b:s1+s11], $0x80, s25, s11, $0xb8;
	[tilespmem:$0x16400] =	vst v63  }
0x1b: {  	_ =	swait.ge [sflag:s15], $0x4000  }
0x1c: {  	[sflag:s15] =	ssyncset.done $0x0  }
0x1d: {  	s26 =	simm.s32 $0x0;
	[sflag:s15] =	ssyncadd.s32 $0xFFFFC000  }
0x1e: {  	v3 =	vld [tilespmem:s26+$0x6400]  }
0x1f: {  	v5 =	vld [tilespmem:s26+$0x6410]  }
0x20: {  	v4 =	vld [tilespmem:s26+$0x6420]  }
0x21: {  	v2 =	vld [tilespmem:s26+$0x6430]  }
0x22: {  	v0 =	vld [tilespmem:s26+$0x6440]  }
0x23: {  	v1 =	vld [tilespmem:s26+$0x6450];
	v6 =	vmul.f32 $1.131370830e+01, v3  }
0x24: {  	s30 =	simm.s32 $0x200;
	v5 =	vmul.f32 $1.131370830e+01, v5;
	v3 =	vld [tilespmem:s26+$0x6460]  }
.LBB2_3:
0x25: {  	s31 =	sshra.s32 s30, $0x2;
	p1 =	sne.s32 s30, $0xFE00;
	[tilespmem:s26+$0x6400] =	vst v6;
	v4 =	vmul.f32 $1.131370830e+01, v4;
	v6 =	vld [tilespmem:s26+$0x6470]  }
0x26: {  	v7 =	vld [tilespmem:s31+$0x6400];
	[tilespmem:s26+$0x6410] =	vst v5;
	v2 =	vmul.f32 $1.131370830e+01, v2  }
0x27: {  	v5 =	vld [tilespmem:s31+$0x6410];
	[tilespmem:s26+$0x6420] =	vst v4;
	v0 =	vmul.f32 $1.131370830e+01, v0  }
.Ltmp0:
0x28: {  	v4 =	vld [tilespmem:s31+$0x6420];
	[tilespmem:s26+$0x6430] =	vst v2;
	v1 =	vmul.f32 $1.131370830e+01, v1;
	(pc) =	sbr.rel @p1 .LBB2_3-.Ltmp0, $4  }
0x29: {  	v2 =	vld [tilespmem:s31+$0x6430];
	[tilespmem:s26+$0x6440] =	vst v0;
	v3 =	vmul.f32 $1.131370830e+01, v3  }
0x2a: {  	v0 =	vld [tilespmem:s31+$0x6440];
	[tilespmem:s26+$0x6450] =	vst v1;
	v8 =	vmul.f32 $1.131370830e+01, v6  }
0x2b: {  	v6 =	vmul.f32 $1.131370830e+01, v7;
	v1 =	vld [tilespmem:s31+$0x6450];
	[tilespmem:s26+$0x6460] =	vst v3  }
0x2c: {  	s30 =	sadd.s32 $0x200, s30;
	v5 =	vmul.f32 $1.131370830e+01, v5;
	v3 =	vld [tilespmem:s31+$0x6460];
	[tilespmem:s26+$0x6470] =	vst v8;
	s26 =	smov.u32 s31  }
0x2d: {  	[tilespmem:s26+$0x6400] =	vst v6;
	v4 =	vmul.f32 $1.131370830e+01, v4;
	v6 =	vld [tilespmem:s26+$0x6470]  }
0x2e: {  	[tilespmem:s26+$0x6410] =	vst v5;
	v2 =	vmul.f32 $1.131370830e+01, v2  }
0x2f: {  	[tilespmem:s26+$0x6420] =	vst v4;
	v0 =	vmul.f32 $1.131370830e+01, v0  }
0x30: {  	[tilespmem:s26+$0x6430] =	vst v2;
	v1 =	vmul.f32 $1.131370830e+01, v1  }
0x31: {  	s30 =	sshll.u32 s28, $0x10;
	[tilespmem:s26+$0x6440] =	vst v0;
	v0 =	vmul.f32 $1.131370830e+01, v3  }
0x32: {  	s30 =	sadd.s32 s7, s30;
	[tilespmem:s26+$0x6450] =	vst v1;
	v1 =	vmul.f32 $1.131370830e+01, v6  }
0x33: {  	s30 =	sshrl.u32 s30, $0x3;
	[tilespmem:s26+$0x6460] =	vst v0  }
0x34: {  	s2 =	sadd.s32 s3, s30;
	[tilespmem:s26+$0x6470] =	vst v1;
	s26 =	simm.s32 @!p0 $0x8  }
0x35: {  	[hbm4b:s2+s5] =	stream.linear.scatter [tilespmem:s12], [sflag:$0x5], $0x4000, $0x38;
	[tilespmem:$0x16400] =	vst v63  }
0x36: {  	_ =	swait.ge @!p0 [sflag:s26], $0x4000  }
0x37: {  	[sflag:s26] =	ssyncset.done @!p0 $0x0  }
0x38: {  	[sflag:s26] =	ssyncadd.s32 @!p0 $0xFFFFC000;
	s26 =	sor.u32 $0x180, s29  }
0x39: {  	[tilespmem:s16], [sflag:$0x4] =	stream.indirect.gather [hbm4b:s1+s11], $0x80, s26, s11, $0xb8;
	[tilespmem:$0x16400] =	vst v63  }
0x3a: {  	_ =	swait.ge [sflag:s17], $0x4000  }
0x3b: {  	[sflag:s17] =	ssyncset.done $0x0  }
0x3c: {  	s30 =	simm.s32 $0x0;
	[sflag:s17] =	ssyncadd.s32 $0xFFFFC000  }
0x3d: {  	v3 =	vld [tilespmem:s30+$0xA400]  }
0x3e: {  	v5 =	vld [tilespmem:s30+$0xA410]  }
0x3f: {  	v4 =	vld [tilespmem:s30+$0xA420]  }
0x40: {  	v2 =	vld [tilespmem:s30+$0xA430]  }
0x41: {  	v0 =	vld [tilespmem:s30+$0xA440]  }
0x42: {  	v1 =	vld [tilespmem:s30+$0xA450];
	v6 =	vmul.f32 $1.131370830e+01, v3  }
0x43: {  	s31 =	simm.s32 $0x200;
	v5 =	vmul.f32 $1.131370830e+01, v5;
	v3 =	vld [tilespmem:s30+$0xA460]  }
.LBB2_5:
0x44: {  	s2 =	sshra.s32 s31, $0x2;
	p0 =	sne.s32 s31, $0xFE00;
	[tilespmem:s30+$0xA400] =	vst v6;
	v4 =	vmul.f32 $1.131370830e+01, v4;
	v6 =	vld [tilespmem:s30+$0xA470]  }
0x45: {  	v7 =	vld [tilespmem:s2+$0xA400];
	[tilespmem:s30+$0xA410] =	vst v5;
	v2 =	vmul.f32 $1.131370830e+01, v2  }
0x46: {  	v5 =	vld [tilespmem:s2+$0xA410];
	[tilespmem:s30+$0xA420] =	vst v4;
	v0 =	vmul.f32 $1.131370830e+01, v0  }
.Ltmp1:
0x47: {  	v4 =	vld [tilespmem:s2+$0xA420];
	[tilespmem:s30+$0xA430] =	vst v2;
	v1 =	vmul.f32 $1.131370830e+01, v1;
	(pc) =	sbr.rel @p0 .LBB2_5-.Ltmp1, $4  }
0x48: {  	v2 =	vld [tilespmem:s2+$0xA430];
	[tilespmem:s30+$0xA440] =	vst v0;
	v3 =	vmul.f32 $1.131370830e+01, v3  }
0x49: {  	v0 =	vld [tilespmem:s2+$0xA440];
	[tilespmem:s30+$0xA450] =	vst v1;
	v8 =	vmul.f32 $1.131370830e+01, v6  }
0x4a: {  	v6 =	vmul.f32 $1.131370830e+01, v7;
	v1 =	vld [tilespmem:s2+$0xA450];
	[tilespmem:s30+$0xA460] =	vst v3  }
0x4b: {  	s31 =	sadd.s32 $0x200, s31;
	v5 =	vmul.f32 $1.131370830e+01, v5;
	v3 =	vld [tilespmem:s2+$0xA460];
	[tilespmem:s30+$0xA470] =	vst v8;
	s30 =	smov.u32 s2  }
0x4c: {  	[tilespmem:s30+$0xA400] =	vst v6;
	v4 =	vmul.f32 $1.131370830e+01, v4;
	v6 =	vld [tilespmem:s30+$0xA470]  }
0x4d: {  	[tilespmem:s30+$0xA410] =	vst v5;
	v2 =	vmul.f32 $1.131370830e+01, v2  }
0x4e: {  	[tilespmem:s30+$0xA420] =	vst v4;
	v0 =	vmul.f32 $1.131370830e+01, v0  }
0x4f: {  	[tilespmem:s30+$0xA430] =	vst v2;
	v1 =	vmul.f32 $1.131370830e+01, v1  }
0x50: {  	[tilespmem:s30+$0xA440] =	vst v0;
	v0 =	vmul.f32 $1.131370830e+01, v3  }
0x51: {  	s2 =	sadd.s32 s29, s8;
	[tilespmem:s30+$0xA450] =	vst v1;
	v1 =	vmul.f32 $1.131370830e+01, v6  }
0x52: {  	s2 =	sshll.u32 s2, $0x4;
	[tilespmem:s30+$0xA460] =	vst v0  }
0x53: {  	p0 =	seq.s32 s28, $0x31;
	s2 =	sadd.s32 s3, s2;
	[tilespmem:s30+$0xA470] =	vst v1  }
0x54: {  	[hbm4b:s2+s5] =	stream.linear.scatter [tilespmem:s13], [sflag:$0x6], $0x4000, $0x38;
	[tilespmem:$0x16400] =	vst v63  }
0x55: {  	s2 =	sshll.u32 @!p0 s28, $0x9;
	_ =	swait.ge [sflag:s18], $0x4000  }
0x56: {  	s31 =	simm.s32 @!p0 $0x6400;
	s29 =	sand.u32 @!p0 $0x3FFFFE00, s2;
	[sflag:s18] =	ssyncset.done $0x0  }
0x57: {  	s30 =	simm.s32 @!p0 $0x80;
	s2 =	sadd.s32 @!p0 $0x200, s29;
	[sflag:s18] =	ssyncadd.s32 $0xFFFFC000  }
0x58: {  	[tilespmem:s31], [sflag:$0x1] =	stream.indirect.gather @!p0 [hbm4b:s1+s30], $0x80, s2, s30, $0xb8;
	[tilespmem:$0x16400] =	vst v63  }
0x59: {  	_ =	swait.ge [sflag:s19], $0x4000  }
0x5a: {  	[sflag:s19] =	ssyncset.done $0x0  }
0x5b: {  	s30 =	simm.s32 $0x0;
	[sflag:s19] =	ssyncadd.s32 $0xFFFFC000  }
0x5c: {  	v3 =	vld [tilespmem:s30+$0xE400]  }
0x5d: {  	v5 =	vld [tilespmem:s30+$0xE410]  }
0x5e: {  	v4 =	vld [tilespmem:s30+$0xE420]  }
0x5f: {  	v2 =	vld [tilespmem:s30+$0xE430]  }
0x60: {  	v0 =	vld [tilespmem:s30+$0xE440]  }
0x61: {  	v1 =	vld [tilespmem:s30+$0xE450];
	v6 =	vmul.f32 $1.131370830e+01, v3  }
0x62: {  	s28 =	sadd.s32 $0x1, s28;
	s31 =	simm.s32 $0x200;
	v5 =	vmul.f32 $1.131370830e+01, v5;
	v3 =	vld [tilespmem:s30+$0xE460]  }
.LBB2_7:
0x63: {  	s2 =	sshra.s32 s31, $0x2;
	p1 =	sne.s32 s31, $0xFE00;
	[tilespmem:s30+$0xE400] =	vst v6;
	v4 =	vmul.f32 $1.131370830e+01, v4;
	v6 =	vld [tilespmem:s30+$0xE470]  }
0x64: {  	v7 =	vld [tilespmem:s2+$0xE400];
	[tilespmem:s30+$0xE410] =	vst v5;
	v2 =	vmul.f32 $1.131370830e+01, v2  }
0x65: {  	v5 =	vld [tilespmem:s2+$0xE410];
	[tilespmem:s30+$0xE420] =	vst v4;
	v0 =	vmul.f32 $1.131370830e+01, v0  }
.Ltmp2:
0x66: {  	v4 =	vld [tilespmem:s2+$0xE420];
	[tilespmem:s30+$0xE430] =	vst v2;
	v1 =	vmul.f32 $1.131370830e+01, v1;
	(pc) =	sbr.rel @p1 .LBB2_7-.Ltmp2, $4  }
0x67: {  	v2 =	vld [tilespmem:s2+$0xE430];
	[tilespmem:s30+$0xE440] =	vst v0;
	v3 =	vmul.f32 $1.131370830e+01, v3  }
0x68: {  	v0 =	vld [tilespmem:s2+$0xE440];
	[tilespmem:s30+$0xE450] =	vst v1;
	v8 =	vmul.f32 $1.131370830e+01, v6  }
0x69: {  	v6 =	vmul.f32 $1.131370830e+01, v7;
	v1 =	vld [tilespmem:s2+$0xE450];
	[tilespmem:s30+$0xE460] =	vst v3  }
0x6a: {  	s31 =	sadd.s32 $0x200, s31;
	v5 =	vmul.f32 $1.131370830e+01, v5;
	v3 =	vld [tilespmem:s2+$0xE460];
	[tilespmem:s30+$0xE470] =	vst v8;
	s30 =	smov.u32 s2  }
0x6b: {  	[tilespmem:s30+$0xE400] =	vst v6;
	v4 =	vmul.f32 $1.131370830e+01, v4;
	v6 =	vld [tilespmem:s30+$0xE470]  }
0x6c: {  	[tilespmem:s30+$0xE410] =	vst v5;
	v2 =	vmul.f32 $1.131370830e+01, v2  }
0x6d: {  	[tilespmem:s30+$0xE420] =	vst v4;
	v0 =	vmul.f32 $1.131370830e+01, v0  }
0x6e: {  	[tilespmem:s30+$0xE430] =	vst v2;
	v1 =	vmul.f32 $1.131370830e+01, v1  }
0x6f: {  	[tilespmem:s30+$0xE440] =	vst v0;
	v0 =	vmul.f32 $1.131370830e+01, v3  }
0x70: {  	s2 =	sadd.s32 s4, s25;
	[tilespmem:s30+$0xE450] =	vst v1;
	v1 =	vmul.f32 $1.131370830e+01, v6  }
0x71: {  	s2 =	sshll.u32 s2, $0x4;
	[tilespmem:s30+$0xE460] =	vst v0  }
0x72: {  	s2 =	sadd.s32 s3, s2;
	[tilespmem:s30+$0xE470] =	vst v1  }
0x73: {  	[hbm4b:s2+s5] =	stream.linear.scatter [tilespmem:s14], [sflag:$0x7], $0x4000, $0x38;
	[tilespmem:$0x16400] =	vst v63  }
0x74: {  	_ =	swait.ge [sflag:s20], $0x4000  }
0x75: {  	s25 =	simm.s32 @!p0 $0x80;
	[sflag:s20] =	ssyncset.done $0x0  }
0x76: {  	s2 =	sadd.s32 @!p0 $0x280, s29;
	s29 =	simm.s32 @!p0 $0xA400;
	[sflag:s20] =	ssyncadd.s32 $0xFFFFC000  }
0x77: {  	[tilespmem:s29], [sflag:$0x2] =	stream.indirect.gather @!p0 [hbm4b:s1+s25], $0x80, s2, s25, $0xb8;
	[tilespmem:$0x16400] =	vst v63  }
0x78: {  	_ =	swait.ge [sflag:s21], $0x4000  }
0x79: {  	[sflag:s21] =	ssyncset.done $0x0  }
0x7a: {  	s25 =	simm.s32 $0x0;
	[sflag:s21] =	ssyncadd.s32 $0xFFFFC000  }
0x7b: {  	v3 =	vld [tilespmem:s25+$0x12400]  }
0x7c: {  	v5 =	vld [tilespmem:s25+$0x12410]  }
0x7d: {  	v4 =	vld [tilespmem:s25+$0x12420]  }
0x7e: {  	v2 =	vld [tilespmem:s25+$0x12430]  }
0x7f: {  	v0 =	vld [tilespmem:s25+$0x12440]  }
0x80: {  	v1 =	vld [tilespmem:s25+$0x12450];
	v6 =	vmul.f32 $1.131370830e+01, v3  }
0x81: {  	s29 =	simm.s32 $0x200;
	v5 =	vmul.f32 $1.131370830e+01, v5;
	v3 =	vld [tilespmem:s25+$0x12460]  }
.LBB2_9:
0x82: {  	s2 =	sshra.s32 s29, $0x2;
	p0 =	sne.s32 s29, $0xFE00;
	[tilespmem:s25+$0x12400] =	vst v6;
	v4 =	vmul.f32 $1.131370830e+01, v4;
	v6 =	vld [tilespmem:s25+$0x12470]  }
0x83: {  	v7 =	vld [tilespmem:s2+$0x12400];
	[tilespmem:s25+$0x12410] =	vst v5;
	v2 =	vmul.f32 $1.131370830e+01, v2  }
0x84: {  	v5 =	vld [tilespmem:s2+$0x12410];
	[tilespmem:s25+$0x12420] =	vst v4;
	v0 =	vmul.f32 $1.131370830e+01, v0  }
.Ltmp3:
0x85: {  	v4 =	vld [tilespmem:s2+$0x12420];
	[tilespmem:s25+$0x12430] =	vst v2;
	v1 =	vmul.f32 $1.131370830e+01, v1;
	(pc) =	sbr.rel @p0 .LBB2_9-.Ltmp3, $4  }
0x86: {  	v2 =	vld [tilespmem:s2+$0x12430];
	[tilespmem:s25+$0x12440] =	vst v0;
	v3 =	vmul.f32 $1.131370830e+01, v3  }
0x87: {  	v0 =	vld [tilespmem:s2+$0x12440];
	[tilespmem:s25+$0x12450] =	vst v1;
	v8 =	vmul.f32 $1.131370830e+01, v6  }
0x88: {  	v6 =	vmul.f32 $1.131370830e+01, v7;
	v1 =	vld [tilespmem:s2+$0x12450];
	[tilespmem:s25+$0x12460] =	vst v3  }
0x89: {  	s29 =	sadd.s32 $0x200, s29;
	v5 =	vmul.f32 $1.131370830e+01, v5;
	v3 =	vld [tilespmem:s2+$0x12460];
	[tilespmem:s25+$0x12470] =	vst v8;
	s25 =	smov.u32 s2  }
0x8a: {  	[tilespmem:s25+$0x12400] =	vst v6;
	v4 =	vmul.f32 $1.131370830e+01, v4;
	v61 =	vld [tilespmem:s25+$0x12470]  }
0x8b: {  	[tilespmem:s25+$0x12410] =	vst v5;
	v2 =	vmul.f32 $1.131370830e+01, v2  }
0x8c: {  	[tilespmem:s25+$0x12420] =	vst v4;
	v0 =	vmul.f32 $1.131370830e+01, v0  }
0x8d: {  	p0 =	sne.s32 s28, $0x32;
	[tilespmem:s25+$0x12430] =	vst v2;
	v1 =	vmul.f32 $1.131370830e+01, v1  }
.Ltmp4:
0x8e: {  	[tilespmem:s25+$0x12440] =	vst v0;
	v62 =	vmul.f32 $1.131370830e+01, v3;
	(pc) =	sbr.rel @p0 .LBB2_2-.Ltmp4, $4  }
0x8f: {  	s2 =	sadd.s32 s4, s26;
	[tilespmem:s25+$0x12450] =	vst v1;
	v63 =	vmul.f32 $1.131370830e+01, v61  }
0x90: {  	s2 =	sshll.u32 s2, $0x4;
	[tilespmem:s25+$0x12460] =	vst v62  }
0x91: {  	s2 =	sadd.s32 s3, s2;
	[tilespmem:s25+$0x12470] =	vst v63  }
0x92: {  	[hbm4b:s2+s5] =	stream.linear.scatter [tilespmem:s16], [sflag:$0x8], $0x4000, $0x38;
	[tilespmem:$0x16400] =	vst v63  }
0x93: {  	s24 =	sadd.s32 $0x1, s24  }
0x94: {  	_ =	swait.ge [sflag:s22], $0x4000;
	p0 =	sne.s32 s24, s9  }
.Ltmp5:
0x95: {  	[sflag:s22] =	ssyncset.done $0x0;
	(pc) =	sbr.rel @p0 .LBB2_1-.Ltmp5, $4  }
0x96: {  	[sflag:s22] =	ssyncadd.s32 $0xFFFFC000  }
0x97: {  	_ =	swait.ge [sflag:s23], $0x4000  }
0x98: {  	[sflag:s23] =	ssyncset.done $0x0  }
0x99: {  	[sflag:s23] =	ssyncadd.s32 $0xFFFFC000  }
0x9a: {  	_ =	sfence.sel $0x180000  }
0x9b: {  	[bflag:$0x0] =	sbarrier.arrive $0xFFFF  }
0x9c: {  	_ =	strace $0x90000047  }
0x9d: {  	[bflag:$0x2] =	sbarrier.arrive $0xFFFF  }
0x9e: {  	p0 =	sne.s32 s0, $0x0;
	s0 =	rddreg [dreg:$0x3]  }
0x9f: {  	s0 =	sadd.s32 @!p0 $0x100000, s0  }
0xa0: {  	[sflag:s0] =	ssyncadd.tile.s32 @!p0 $0x1;
	_ =	shalt  }
.Lfunc_end2:
_tile_overlayer_lowered:
.L_overlay_start_2:
0xa1: {  	(tag) =	ssettag $0x2  }
0xa2: {  	s0 =	rddreg [dreg:$0x0];
	s2 =	stileid.u32  }
0xa3: {  	s1 =	rddreg [dreg:$0x1];
	p0 =	sne.s32 s2, $0x0  }
0xa4: {  	s3 =	rddreg [dreg:$0x2];
	[bflag:$0x3] =	sbarrier.arrive $0xFFFF;
	s2 =	simm.s32 @!p0 $0x1C09  }
0xa5: {  	[timem:s3], [sflag:s2] =	dma.local @!p0 [hbm:s0], s1  }
0xa6: {  	s0 =	simm.s32 @!p0 $0x9  }
0xa7: {  	_ =	swait.ge @!p0 [sflag:s0], s1  }
0xa8: {  	s1 =	ssub.s32 @!p0 $0x0, s1;
	[sflag:s0] =	ssyncset.done @!p0 $0x0  }
0xa9: {  	[sflag:s0] =	ssyncadd.s32 @!p0 s1  }
0xaa: {  	[bflag:$0x3] =	sbarrier.arrive $0xFFFF  }
0xab: {  	_ =	shalt  }

</sc_bundles>
